<compile_context>
chip_gen: v7x
topology: tpu7x:2x2x1
jax: 0.10.2.dev20260603
libtpu: 0.0.44.dev20260713+nightly
codegen_flags: <defaults>
</compile_context>

<pallas_src>
import functools

import jax
import jax.numpy as jnp
from jax import lax
from jax.experimental import pallas as pl
from jax.experimental.pallas import tpu as pltpu
from jax.experimental.pallas import tpu_sc as plsc

NR_AST = 320000
NCFG = 10000
D = 128
CHUNK = 80
GROUPS = CHUNK // 16
NSUB = 16
NW = 2 * NSUB
PER_TILE = NR_AST // NW
ITERS = PER_TILE // CHUNK
ROWS_PER_SUB = NCFG // NSUB
ZROWS = 25


def _sc_partial(table, keys1, segs1):
    mesh = plsc.VectorSubcoreMesh(core_axis_name="c", subcore_axis_name="s")

    @functools.partial(
        pl.kernel,
        mesh=mesh,
        compiler_params=pltpu.CompilerParams(needs_layout_passes=False),
        out_type=[
            jax.ShapeDtypeStruct((2, NCFG, D), jnp.float32),
            jax.ShapeDtypeStruct((NW * NCFG,), jnp.float32),
        ],
        scratch_types=[
            pltpu.VMEM((PER_TILE,), jnp.int32),
            pltpu.VMEM((PER_TILE,), jnp.int32),
            pltpu.VMEM((CHUNK, D), jnp.float32),
            pltpu.VMEM((CHUNK, D), jnp.float32),
            pltpu.VMEM((NCFG,), jnp.float32),
            pltpu.VMEM_SHARED((NCFG, D), jnp.float32),
            pltpu.SemaphoreType.DMA,
            pltpu.SemaphoreType.DMA,
            pltpu.SemaphoreType.DMA,
            pltpu.SemaphoreType.DMA,
            pltpu.SemaphoreType.DMA,
        ],
    )
    def k(table_hbm, keys_hbm, segs_hbm, partial_hbm, hist_hbm,
          keys_v, segs_v, rows0_v, rows1_v, hist_v, acc_sh,
          gsem0, gsem1, ssem0, ssem1, psem):
        c = lax.axis_index("c")
        s = lax.axis_index("s")
        wid = c * NSUB + s

        pk = pltpu.async_copy(
            keys_hbm.at[pl.ds(wid * PER_TILE, PER_TILE)], keys_v, psem)
        ps = pltpu.async_copy(
            segs_hbm.at[pl.ds(wid * PER_TILE, PER_TILE)], segs_v, psem)

        def zrow(r, carry):
            for j in range(D // 16):
                rows0_v[r, pl.ds(j * 16, 16)] = jnp.zeros((16,), jnp.float32)
            return carry
        lax.fori_loop(0, CHUNK, zrow, 0)

        zdescs = [
            pltpu.async_copy(
                rows0_v.at[pl.ds(0, ZROWS)],
                acc_sh.at[pl.ds(s * ROWS_PER_SUB + t * ZROWS, ZROWS)], ssem0)
            for t in range(ROWS_PER_SUB // ZROWS)
        ]

        def zhist(i, carry):
            hist_v[pl.ds(i * 16, 16)] = jnp.zeros((16,), jnp.float32)
            return carry
        lax.fori_loop(0, NCFG // 16, zhist, 0)

        for zd in zdescs:
            zd.wait()
        pk.wait()
        ps.wait()
        plsc.subcore_barrier()

        ones = jnp.ones((16,), jnp.float32)
        bufs = (rows0_v, rows1_v)
        gsems = (gsem0, gsem1)
        ssems = (ssem0, ssem1)

        def kslice(g):
            return keys_v.at[pl.ds(g * CHUNK, CHUNK)]

        def process(g, b):
            pltpu.make_async_copy(
                table_hbm.at[kslice(g)], bufs[b], gsems[b]).wait()
            descs = []
            for j in range(GROUPS):
                sv = segs_v[pl.ds(g * CHUNK + j * 16, 16)]
                plsc.addupdate_scatter(hist_v, [sv], ones)
                descs.append(pltpu.async_copy(
                    bufs[b].at[pl.ds(j * 16, 16)], acc_sh.at[sv], ssems[b],
                    add=True))
            for d in descs:
                d.wait()

        pltpu.async_copy(table_hbm.at[kslice(0)], rows0_v, gsem0)
        pltpu.async_copy(table_hbm.at[kslice(1)], rows1_v, gsem1)

        def body(i, carry):
            g0 = 2 * i
            process(g0, 0)
            pltpu.async_copy(table_hbm.at[kslice(g0 + 2)], rows0_v, gsem0)

            process(g0 + 1, 1)

            @pl.when(i < ITERS // 2 - 1)
            def _next1():
                pltpu.async_copy(table_hbm.at[kslice(g0 + 3)], rows1_v, gsem1)
            return carry
        lax.fori_loop(0, ITERS // 2, body, 0)

        process(ITERS - 1, 0)

        plsc.subcore_barrier()

        pltpu.sync_copy(acc_sh.at[pl.ds(s * 624, 624)],
                        partial_hbm.at[c, pl.ds(s * 624, 624)])

        @pl.when(s == NSUB - 1)
        def _tail():
            pltpu.sync_copy(acc_sh.at[pl.ds(9984, 16)],
                            partial_hbm.at[c, pl.ds(9984, 16)])

        pltpu.sync_copy(hist_v, hist_hbm.at[pl.ds(wid * NCFG, NCFG)])

    return k(table, keys1, segs1)


def _combine(partial, hist_t):
    blk = 1000

    def body(p0_ref, p1_ref, h_ref, o_ref):
        cnt_blk = jnp.sum(h_ref[...], axis=1)
        denom = jnp.maximum(cnt_blk, 1.0)
        o_ref[...] = (p0_ref[...] + p1_ref[...]) / denom[:, None]

    return pl.pallas_call(
        body,
        grid=(NCFG // blk,),
        in_specs=[
            pl.BlockSpec((blk, D), lambda i: (i, 0)),
            pl.BlockSpec((blk, D), lambda i: (i, 0)),
            pl.BlockSpec((blk, NW), lambda i: (i, 0)),
        ],
        out_specs=pl.BlockSpec((blk, D), lambda i: (i, 0)),
        out_shape=jax.ShapeDtypeStruct((NCFG, D), jnp.float32),
    )(partial[0], partial[1], hist_t)


def kernel(ast_nodes, ast_node_idx_to_pdg_node_idx_mapping_key,
           ast_node_idx_to_pdg_node_idx_mapping_value,
           pdg_node_idx_to_sub_ast_root_idx_mapping_key,
           pdg_node_idx_to_sub_ast_root_idx_mapping_value, nr_cfg_nodes):
    keys = ast_node_idx_to_pdg_node_idx_mapping_key.astype(jnp.int32)
    segs = ast_node_idx_to_pdg_node_idx_mapping_value.astype(jnp.int32)
    partial, hist = _sc_partial(ast_nodes, keys, segs)
    return _combine(partial, hist.reshape(NW, NCFG).T)

# --- scband reference (transcript-rebuilt; emitter-appended) ---
"""Pipeline reference for scband-cfgsub-astexpression-combiner-46377056862331 (READ-ONLY COPY).

The authoritative reference and input builder live on the scoring server;
editing this copy changes nothing except your own understanding.
"""

import jax, jax.numpy as jnp
import numpy as np

NR_AST_NODES = 320000
NR_CFG_NODES = 10000
D = 128


def setup_inputs(seed: int = 0) -> dict:
    key = jax.random.key(seed)
    ks = jax.random.split(key, 5)
    ast_nodes = jax.random.normal(ks[0], (NR_AST_NODES, D), dtype=jnp.float32)
    ast_node_idx_to_pdg_node_idx_mapping_key = jax.random.randint(ks[1], (NR_AST_NODES,), 0, NR_AST_NODES)
    ast_node_idx_to_pdg_node_idx_mapping_value = jax.random.randint(ks[2], (NR_AST_NODES,), 0, NR_CFG_NODES)
    pdg_node_idx_to_sub_ast_root_idx_mapping_key = jax.random.randint(ks[3], (NR_CFG_NODES,), 0, NR_CFG_NODES)
    pdg_node_idx_to_sub_ast_root_idx_mapping_value = jax.random.randint(ks[4], (NR_CFG_NODES,), 0, NR_AST_NODES)
    return {
        "ast_nodes": ast_nodes,
        "ast_node_idx_to_pdg_node_idx_mapping_key": ast_node_idx_to_pdg_node_idx_mapping_key,
        "ast_node_idx_to_pdg_node_idx_mapping_value": ast_node_idx_to_pdg_node_idx_mapping_value,
        "pdg_node_idx_to_sub_ast_root_idx_mapping_key": pdg_node_idx_to_sub_ast_root_idx_mapping_key,
        "pdg_node_idx_to_sub_ast_root_idx_mapping_value": pdg_node_idx_to_sub_ast_root_idx_mapping_value,
        "nr_cfg_nodes": NR_CFG_NODES,
    }


def reference(ast_nodes, ast_node_idx_to_pdg_node_idx_mapping_key, ast_node_idx_to_pdg_node_idx_mapping_value, pdg_node_idx_to_sub_ast_root_idx_mapping_key, pdg_node_idx_to_sub_ast_root_idx_mapping_value, nr_cfg_nodes):
    d = ast_nodes.shape[1]
    n = pdg_node_idx_to_sub_ast_root_idx_mapping_key.shape[0]
    # attn_queries: gather sub-AST root encodings, scatter-overwrite into per-CFG-node slots
    attn_queries_src = jnp.take(ast_nodes, pdg_node_idx_to_sub_ast_root_idx_mapping_value, axis=0)
    attn_queries = jnp.zeros((n, d), dtype=ast_nodes.dtype).at[jnp.mod(pdg_node_idx_to_sub_ast_root_idx_mapping_key, nr_cfg_nodes)].set(attn_queries_src)
    # ScatterCombiner with combining_method='mean': scatter-mean of gathered AST node encodings
    scattered_input = jnp.take(ast_nodes, ast_node_idx_to_pdg_node_idx_mapping_key, axis=0)
    segment_ids = jnp.mod(ast_node_idx_to_pdg_node_idx_mapping_value, nr_cfg_nodes)
    sums = jax.ops.segment_sum(scattered_input, segment_ids, num_segments=n)
    counts = jax.ops.segment_sum(jnp.ones((scattered_input.shape[0],), dtype=ast_nodes.dtype), segment_ids, num_segments=n)
    combined_sub_asts = sums / jnp.maximum(counts, 1.0)[:, None]
    # attn_queries computed (as in the torch forward) but unused by 'mean' combining
    _ = attn_queries
    assert combined_sub_asts.shape == (n, d)
    return combined_sub_asts

if __name__ == "__main__":
    import jax
    _d = setup_inputs()
    print(jax.jit(kernel)(*tuple(_d.values())))

</pallas_src>

<mosaic_0001>
#map = affine_map<(d0, d1) -> (0, 0)>
#map1 = affine_map<(d0, d1) -> (0)>
#map2 = affine_map<(d0, d1) -> (0, 0, 0)>
module attributes {stable_mosaic.version = 14 : i64} {
  func.func @k(%arg0: i32, %arg1: i32, %arg2: memref<320000x128xf32, #tpu.memory_space<hbm>>, %arg3: memref<320000xi32, #tpu.memory_space<hbm>>, %arg4: memref<320000xi32, #tpu.memory_space<hbm>>, %arg5: memref<2x10000x128xf32, #tpu.memory_space<hbm>>, %arg6: memref<320000xf32, #tpu.memory_space<hbm>>, %arg7: memref<10000xi32, #tpu.memory_space<vmem>>, %arg8: memref<10000xi32, #tpu.memory_space<vmem>>, %arg9: memref<80x128xf32, #tpu.memory_space<vmem>>, %arg10: memref<80x128xf32, #tpu.memory_space<vmem>>, %arg11: memref<10000xf32, #tpu.memory_space<vmem>>, %arg12: memref<10000x128xf32, #tpu.memory_space<vmem_shared>>, %arg13: memref<!tpu.dma_semaphore, #tpu.memory_space<semaphore_mem>>, %arg14: memref<!tpu.dma_semaphore, #tpu.memory_space<semaphore_mem>>, %arg15: memref<!tpu.dma_semaphore, #tpu.memory_space<semaphore_mem>>, %arg16: memref<!tpu.dma_semaphore, #tpu.memory_space<semaphore_mem>>, %arg17: memref<!tpu.dma_semaphore, #tpu.memory_space<semaphore_mem>>) attributes {dimension_semantics = [#tpu.dimension_semantics<core_parallel>, #tpu.dimension_semantics<subcore_parallel>], iteration_bounds = array<i64: 2, 16>, scalar_prefetch = 0 : i64, scratch_operands = 11 : i64, tpu.core_type = #tpu.core_type<sc_vector_subcore>, window_params = [{transform_indices = #map}, {transform_indices = #map1}, {transform_indices = #map1}, {transform_indices = #map2}, {transform_indices = #map1}]} {
    %mul3A = arith.constant 16 : i32
    %mul3A_0 = arith.muli %arg0, %mul3A : i32
    %add3A = arith.addi %mul3A_0, %arg1 : i32
    %mul3A_1 = arith.constant 10000 : i32
    %mul3A_2 = arith.muli %add3A, %mul3A_1 : i32
    %dma_start3A = tpu.memref_slice %arg3[%mul3A_2] : memref<320000xi32, #tpu.memory_space<hbm>> -> memref<10000xi32, #tpu.memory_space<hbm>>
    %dma_start3A_3 = tpu.memref_slice %arg3[%mul3A_2] : memref<320000xi32, #tpu.memory_space<hbm>> -> memref<10000xi32, #tpu.memory_space<hbm>>
    tpu.enqueue_dma source(%dma_start3A_3 : memref<10000xi32, #tpu.memory_space<hbm>>) target(%arg7 : memref<10000xi32, #tpu.memory_space<vmem>>) target_semaphore(%arg17 : memref<!tpu.dma_semaphore, #tpu.memory_space<semaphore_mem>>)
    %mul3A_4 = arith.constant 10000 : i32
    %mul3A_5 = arith.muli %add3A, %mul3A_4 : i32
    %dma_start3A_6 = tpu.memref_slice %arg4[%mul3A_5] : memref<320000xi32, #tpu.memory_space<hbm>> -> memref<10000xi32, #tpu.memory_space<hbm>>
    %dma_start3A_7 = tpu.memref_slice %arg4[%mul3A_5] : memref<320000xi32, #tpu.memory_space<hbm>> -> memref<10000xi32, #tpu.memory_space<hbm>>
    tpu.enqueue_dma source(%dma_start3A_7 : memref<10000xi32, #tpu.memory_space<hbm>>) target(%arg8 : memref<10000xi32, #tpu.memory_space<vmem>>) target_semaphore(%arg17 : memref<!tpu.dma_semaphore, #tpu.memory_space<semaphore_mem>>)
    %scan3A = arith.constant 0 : i32
    %scan3A_8 = arith.constant 0 : i32
    %scan3A_9 = arith.constant 80 : i32
    %scan3A_10 = arith.addi %scan3A_8, %scan3A_9 : i32
    %scan3A_11 = arith.constant 1 : i32
    scf.for %scan3A_722 = %scan3A_8 to %scan3A_10 step %scan3A_11  : i32 {
      %broadcast_in_dim3A_723 = arith.constant 0.000000e+00 : f32
      %broadcast_in_dim3A_724 = vector.broadcast %broadcast_in_dim3A_723 : f32 to vector<16xf32>
      %swap3A = arith.index_cast %scan3A_722 : i32 to index
      %swap3A_725 = arith.constant 0 : index
      %swap3A_726 = tpu.vector_load %arg9[%swap3A, %swap3A_725] {strides = array<i32>} : memref<80x128xf32, #tpu.memory_space<vmem>>, vector<16xf32>,
      tpu.vector_store %arg9[%swap3A, %swap3A_725], %broadcast_in_dim3A_724 {strides = array<i32>} : memref<80x128xf32, #tpu.memory_space<vmem>>, vector<16xf32>,
      %broadcast_in_dim3A_727 = arith.constant 0.000000e+00 : f32
      %broadcast_in_dim3A_728 = vector.broadcast %broadcast_in_dim3A_727 : f32 to vector<16xf32>
      %swap3A_729 = arith.index_cast %scan3A_722 : i32 to index
      %swap3A_730 = arith.constant 16 : index
      %swap3A_731 = tpu.vector_load %arg9[%swap3A_729, %swap3A_730] {strides = array<i32>} : memref<80x128xf32, #tpu.memory_space<vmem>>, vector<16xf32>,
      tpu.vector_store %arg9[%swap3A_729, %swap3A_730], %broadcast_in_dim3A_728 {strides = array<i32>} : memref<80x128xf32, #tpu.memory_space<vmem>>, vector<16xf32>,
      %broadcast_in_dim3A_732 = arith.constant 0.000000e+00 : f32
      %broadcast_in_dim3A_733 = vector.broadcast %broadcast_in_dim3A_732 : f32 to vector<16xf32>
      %swap3A_734 = arith.index_cast %scan3A_722 : i32 to index
      %swap3A_735 = arith.constant 32 : index
      %swap3A_736 = tpu.vector_load %arg9[%swap3A_734, %swap3A_735] {strides = array<i32>} : memref<80x128xf32, #tpu.memory_space<vmem>>, vector<16xf32>,
      tpu.vector_store %arg9[%swap3A_734, %swap3A_735], %broadcast_in_dim3A_733 {strides = array<i32>} : memref<80x128xf32, #tpu.memory_space<vmem>>, vector<16xf32>,
      %broadcast_in_dim3A_737 = arith.constant 0.000000e+00 : f32
      %broadcast_in_dim3A_738 = vector.broadcast %broadcast_in_dim3A_737 : f32 to vector<16xf32>
      %swap3A_739 = arith.index_cast %scan3A_722 : i32 to index
      %swap3A_740 = arith.constant 48 : index
      %swap3A_741 = tpu.vector_load %arg9[%swap3A_739, %swap3A_740] {strides = array<i32>} : memref<80x128xf32, #tpu.memory_space<vmem>>, vector<16xf32>,
      tpu.vector_store %arg9[%swap3A_739, %swap3A_740], %broadcast_in_dim3A_738 {strides = array<i32>} : memref<80x128xf32, #tpu.memory_space<vmem>>, vector<16xf32>,
      %broadcast_in_dim3A_742 = arith.constant 0.000000e+00 : f32
      %broadcast_in_dim3A_743 = vector.broadcast %broadcast_in_dim3A_742 : f32 to vector<16xf32>
      %swap3A_744 = arith.index_cast %scan3A_722 : i32 to index
      %swap3A_745 = arith.constant 64 : index
      %swap3A_746 = tpu.vector_load %arg9[%swap3A_744, %swap3A_745] {strides = array<i32>} : memref<80x128xf32, #tpu.memory_space<vmem>>, vector<16xf32>,
      tpu.vector_store %arg9[%swap3A_744, %swap3A_745], %broadcast_in_dim3A_743 {strides = array<i32>} : memref<80x128xf32, #tpu.memory_space<vmem>>, vector<16xf32>,
      %broadcast_in_dim3A_747 = arith.constant 0.000000e+00 : f32
      %broadcast_in_dim3A_748 = vector.broadcast %broadcast_in_dim3A_747 : f32 to vector<16xf32>
      %swap3A_749 = arith.index_cast %scan3A_722 : i32 to index
      %swap3A_750 = arith.constant 80 : index
      %swap3A_751 = tpu.vector_load %arg9[%swap3A_749, %swap3A_750] {strides = array<i32>} : memref<80x128xf32, #tpu.memory_space<vmem>>, vector<16xf32>,
      tpu.vector_store %arg9[%swap3A_749, %swap3A_750], %broadcast_in_dim3A_748 {strides = array<i32>} : memref<80x128xf32, #tpu.memory_space<vmem>>, vector<16xf32>,
      %broadcast_in_dim3A_752 = arith.constant 0.000000e+00 : f32
      %broadcast_in_dim3A_753 = vector.broadcast %broadcast_in_dim3A_752 : f32 to vector<16xf32>
      %swap3A_754 = arith.index_cast %scan3A_722 : i32 to index
      %swap3A_755 = arith.constant 96 : index
      %swap3A_756 = tpu.vector_load %arg9[%swap3A_754, %swap3A_755] {strides = array<i32>} : memref<80x128xf32, #tpu.memory_space<vmem>>, vector<16xf32>,
      tpu.vector_store %arg9[%swap3A_754, %swap3A_755], %broadcast_in_dim3A_753 {strides = array<i32>} : memref<80x128xf32, #tpu.memory_space<vmem>>, vector<16xf32>,
      %broadcast_in_dim3A_757 = arith.constant 0.000000e+00 : f32
      %broadcast_in_dim3A_758 = vector.broadcast %broadcast_in_dim3A_757 : f32 to vector<16xf32>
      %swap3A_759 = arith.index_cast %scan3A_722 : i32 to index
      %swap3A_760 = arith.constant 112 : index
      %swap3A_761 = tpu.vector_load %arg9[%swap3A_759, %swap3A_760] {strides = array<i32>} : memref<80x128xf32, #tpu.memory_space<vmem>>, vector<16xf32>,
      tpu.vector_store %arg9[%swap3A_759, %swap3A_760], %broadcast_in_dim3A_758 {strides = array<i32>} : memref<80x128xf32, #tpu.memory_space<vmem>>, vector<16xf32>,
    }
    %scan3A_12 = arith.constant 80 : i32
    %mul3A_13 = arith.constant 625 : i32
    %mul3A_14 = arith.muli %arg1, %mul3A_13 : i32
    %add3A_15 = arith.constant 0 : i32
    %add3A_16 = arith.addi %mul3A_14, %add3A_15 : i32
    %dma_start3A_17 = arith.constant 0 : i32
    %dma_start3A_18 = arith.constant 0 : i32
    %dma_start3A_19 = tpu.memref_slice %arg9[%dma_start3A_17, %dma_start3A_18] : memref<80x128xf32, #tpu.memory_space<vmem>> -> memref<25x128xf32, #tpu.memory_space<vmem>>
    %dma_start3A_20 = arith.constant 0 : i32
    %dma_start3A_21 = tpu.memref_slice %arg12[%add3A_16, %dma_start3A_20] : memref<10000x128xf32, #tpu.memory_space<vmem_shared>> -> memref<25x128xf32, #tpu.memory_space<vmem_shared>>
    %dma_start3A_22 = arith.constant 0 : i32
    %dma_start3A_23 = tpu.memref_slice %arg12[%add3A_16, %dma_start3A_22] : memref<10000x128xf32, #tpu.memory_space<vmem_shared>> -> memref<25x128xf32, #tpu.memory_space<vmem_shared>>
    %dma_start3A_24 = arith.constant 0 : i32
    %dma_start3A_25 = arith.constant 0 : i32
    %dma_start3A_26 = tpu.memref_slice %arg9[%dma_start3A_24, %dma_start3A_25] : memref<80x128xf32, #tpu.memory_space<vmem>> -> memref<25x128xf32, #tpu.memory_space<vmem>>
    tpu.enqueue_dma source(%dma_start3A_26 : memref<25x128xf32, #tpu.memory_space<vmem>>) target(%dma_start3A_23 : memref<25x128xf32, #tpu.memory_space<vmem_shared>>) target_semaphore(%arg15 : memref<!tpu.dma_semaphore, #tpu.memory_space<semaphore_mem>>)
    %mul3A_27 = arith.constant 625 : i32
    %mul3A_28 = arith.muli %arg1, %mul3A_27 : i32
    %add3A_29 = arith.constant 25 : i32
    %add3A_30 = arith.addi %mul3A_28, %add3A_29 : i32
    %dma_start3A_31 = arith.constant 0 : i32
    %dma_start3A_32 = arith.constant 0 : i32
    %dma_start3A_33 = tpu.memref_slice %arg9[%dma_start3A_31, %dma_start3A_32] : memref<80x128xf32, #tpu.memory_space<vmem>> -> memref<25x128xf32, #tpu.memory_space<vmem>>
    %dma_start3A_34 = arith.constant 0 : i32
    %dma_start3A_35 = tpu.memref_slice %arg12[%add3A_30, %dma_start3A_34] : memref<10000x128xf32, #tpu.memory_space<vmem_shared>> -> memref<25x128xf32, #tpu.memory_space<vmem_shared>>
    %dma_start3A_36 = arith.constant 0 : i32
    %dma_start3A_37 = tpu.memref_slice %arg12[%add3A_30, %dma_start3A_36] : memref<10000x128xf32, #tpu.memory_space<vmem_shared>> -> memref<25x128xf32, #tpu.memory_space<vmem_shared>>
    %dma_start3A_38 = arith.constant 0 : i32
    %dma_start3A_39 = arith.constant 0 : i32
    %dma_start3A_40 = tpu.memref_slice %arg9[%dma_start3A_38, %dma_start3A_39] : memref<80x128xf32, #tpu.memory_space<vmem>> -> memref<25x128xf32, #tpu.memory_space<vmem>>
    tpu.enqueue_dma source(%dma_start3A_40 : memref<25x128xf32, #tpu.memory_space<vmem>>) target(%dma_start3A_37 : memref<25x128xf32, #tpu.memory_space<vmem_shared>>) target_semaphore(%arg15 : memref<!tpu.dma_semaphore, #tpu.memory_space<semaphore_mem>>)
    %mul3A_41 = arith.constant 625 : i32
    %mul3A_42 = arith.muli %arg1, %mul3A_41 : i32
    %add3A_43 = arith.constant 50 : i32
    %add3A_44 = arith.addi %mul3A_42, %add3A_43 : i32
    %dma_start3A_45 = arith.constant 0 : i32
    %dma_start3A_46 = arith.constant 0 : i32
    %dma_start3A_47 = tpu.memref_slice %arg9[%dma_start3A_45, %dma_start3A_46] : memref<80x128xf32, #tpu.memory_space<vmem>> -> memref<25x128xf32, #tpu.memory_space<vmem>>
    %dma_start3A_48 = arith.constant 0 : i32
    %dma_start3A_49 = tpu.memref_slice %arg12[%add3A_44, %dma_start3A_48] : memref<10000x128xf32, #tpu.memory_space<vmem_shared>> -> memref<25x128xf32, #tpu.memory_space<vmem_shared>>
    %dma_start3A_50 = arith.constant 0 : i32
    %dma_start3A_51 = tpu.memref_slice %arg12[%add3A_44, %dma_start3A_50] : memref<10000x128xf32, #tpu.memory_space<vmem_shared>> -> memref<25x128xf32, #tpu.memory_space<vmem_shared>>
    %dma_start3A_52 = arith.constant 0 : i32
    %dma_start3A_53 = arith.constant 0 : i32
    %dma_start3A_54 = tpu.memref_slice %arg9[%dma_start3A_52, %dma_start3A_53] : memref<80x128xf32, #tpu.memory_space<vmem>> -> memref<25x128xf32, #tpu.memory_space<vmem>>
    tpu.enqueue_dma source(%dma_start3A_54 : memref<25x128xf32, #tpu.memory_space<vmem>>) target(%dma_start3A_51 : memref<25x128xf32, #tpu.memory_space<vmem_shared>>) target_semaphore(%arg15 : memref<!tpu.dma_semaphore, #tpu.memory_space<semaphore_mem>>)
    %mul3A_55 = arith.constant 625 : i32
    %mul3A_56 = arith.muli %arg1, %mul3A_55 : i32
    %add3A_57 = arith.constant 75 : i32
    %add3A_58 = arith.addi %mul3A_56, %add3A_57 : i32
    %dma_start3A_59 = arith.constant 0 : i32
    %dma_start3A_60 = arith.constant 0 : i32
    %dma_start3A_61 = tpu.memref_slice %arg9[%dma_start3A_59, %dma_start3A_60] : memref<80x128xf32, #tpu.memory_space<vmem>> -> memref<25x128xf32, #tpu.memory_space<vmem>>
    %dma_start3A_62 = arith.constant 0 : i32
    %dma_start3A_63 = tpu.memref_slice %arg12[%add3A_58, %dma_start3A_62] : memref<10000x128xf32, #tpu.memory_space<vmem_shared>> -> memref<25x128xf32, #tpu.memory_space<vmem_shared>>
    %dma_start3A_64 = arith.constant 0 : i32
    %dma_start3A_65 = tpu.memref_slice %arg12[%add3A_58, %dma_start3A_64] : memref<10000x128xf32, #tpu.memory_space<vmem_shared>> -> memref<25x128xf32, #tpu.memory_space<vmem_shared>>
    %dma_start3A_66 = arith.constant 0 : i32
    %dma_start3A_67 = arith.constant 0 : i32
    %dma_start3A_68 = tpu.memref_slice %arg9[%dma_start3A_66, %dma_start3A_67] : memref<80x128xf32, #tpu.memory_space<vmem>> -> memref<25x128xf32, #tpu.memory_space<vmem>>
    tpu.enqueue_dma source(%dma_start3A_68 : memref<25x128xf32, #tpu.memory_space<vmem>>) target(%dma_start3A_65 : memref<25x128xf32, #tpu.memory_space<vmem_shared>>) target_semaphore(%arg15 : memref<!tpu.dma_semaphore, #tpu.memory_space<semaphore_mem>>)
    %mul3A_69 = arith.constant 625 : i32
    %mul3A_70 = arith.muli %arg1, %mul3A_69 : i32
    %add3A_71 = arith.constant 100 : i32
    %add3A_72 = arith.addi %mul3A_70, %add3A_71 : i32
    %dma_start3A_73 = arith.constant 0 : i32
    %dma_start3A_74 = arith.constant 0 : i32
    %dma_start3A_75 = tpu.memref_slice %arg9[%dma_start3A_73, %dma_start3A_74] : memref<80x128xf32, #tpu.memory_space<vmem>> -> memref<25x128xf32, #tpu.memory_space<vmem>>
    %dma_start3A_76 = arith.constant 0 : i32
    %dma_start3A_77 = tpu.memref_slice %arg12[%add3A_72, %dma_start3A_76] : memref<10000x128xf32, #tpu.memory_space<vmem_shared>> -> memref<25x128xf32, #tpu.memory_space<vmem_shared>>
    %dma_start3A_78 = arith.constant 0 : i32
    %dma_start3A_79 = tpu.memref_slice %arg12[%add3A_72, %dma_start3A_78] : memref<10000x128xf32, #tpu.memory_space<vmem_shared>> -> memref<25x128xf32, #tpu.memory_space<vmem_shared>>
    %dma_start3A_80 = arith.constant 0 : i32
    %dma_start3A_81 = arith.constant 0 : i32
    %dma_start3A_82 = tpu.memref_slice %arg9[%dma_start3A_80, %dma_start3A_81] : memref<80x128xf32, #tpu.memory_space<vmem>> -> memref<25x128xf32, #tpu.memory_space<vmem>>
    tpu.enqueue_dma source(%dma_start3A_82 : memref<25x128xf32, #tpu.memory_space<vmem>>) target(%dma_start3A_79 : memref<25x128xf32, #tpu.memory_space<vmem_shared>>) target_semaphore(%arg15 : memref<!tpu.dma_semaphore, #tpu.memory_space<semaphore_mem>>)
    %mul3A_83 = arith.constant 625 : i32
    %mul3A_84 = arith.muli %arg1, %mul3A_83 : i32
    %add3A_85 = arith.constant 125 : i32
    %add3A_86 = arith.addi %mul3A_84, %add3A_85 : i32
    %dma_start3A_87 = arith.constant 0 : i32
    %dma_start3A_88 = arith.constant 0 : i32
    %dma_start3A_89 = tpu.memref_slice %arg9[%dma_start3A_87, %dma_start3A_88] : memref<80x128xf32, #tpu.memory_space<vmem>> -> memref<25x128xf32, #tpu.memory_space<vmem>>
    %dma_start3A_90 = arith.constant 0 : i32
    %dma_start3A_91 = tpu.memref_slice %arg12[%add3A_86, %dma_start3A_90] : memref<10000x128xf32, #tpu.memory_space<vmem_shared>> -> memref<25x128xf32, #tpu.memory_space<vmem_shared>>
    %dma_start3A_92 = arith.constant 0 : i32
    %dma_start3A_93 = tpu.memref_slice %arg12[%add3A_86, %dma_start3A_92] : memref<10000x128xf32, #tpu.memory_space<vmem_shared>> -> memref<25x128xf32, #tpu.memory_space<vmem_shared>>
    %dma_start3A_94 = arith.constant 0 : i32
    %dma_start3A_95 = arith.constant 0 : i32
    %dma_start3A_96 = tpu.memref_slice %arg9[%dma_start3A_94, %dma_start3A_95] : memref<80x128xf32, #tpu.memory_space<vmem>> -> memref<25x128xf32, #tpu.memory_space<vmem>>
    tpu.enqueue_dma source(%dma_start3A_96 : memref<25x128xf32, #tpu.memory_space<vmem>>) target(%dma_start3A_93 : memref<25x128xf32, #tpu.memory_space<vmem_shared>>) target_semaphore(%arg15 : memref<!tpu.dma_semaphore, #tpu.memory_space<semaphore_mem>>)
    %mul3A_97 = arith.constant 625 : i32
    %mul3A_98 = arith.muli %arg1, %mul3A_97 : i32
    %add3A_99 = arith.constant 150 : i32
    %add3A_100 = arith.addi %mul3A_98, %add3A_99 : i32
    %dma_start3A_101 = arith.constant 0 : i32
    %dma_start3A_102 = arith.constant 0 : i32
    %dma_start3A_103 = tpu.memref_slice %arg9[%dma_start3A_101, %dma_start3A_102] : memref<80x128xf32, #tpu.memory_space<vmem>> -> memref<25x128xf32, #tpu.memory_space<vmem>>
    %dma_start3A_104 = arith.constant 0 : i32
    %dma_start3A_105 = tpu.memref_slice %arg12[%add3A_100, %dma_start3A_104] : memref<10000x128xf32, #tpu.memory_space<vmem_shared>> -> memref<25x128xf32, #tpu.memory_space<vmem_shared>>
    %dma_start3A_106 = arith.constant 0 : i32
    %dma_start3A_107 = tpu.memref_slice %arg12[%add3A_100, %dma_start3A_106] : memref<10000x128xf32, #tpu.memory_space<vmem_shared>> -> memref<25x128xf32, #tpu.memory_space<vmem_shared>>
    %dma_start3A_108 = arith.constant 0 : i32
    %dma_start3A_109 = arith.constant 0 : i32
    %dma_start3A_110 = tpu.memref_slice %arg9[%dma_start3A_108, %dma_start3A_109] : memref<80x128xf32, #tpu.memory_space<vmem>> -> memref<25x128xf32, #tpu.memory_space<vmem>>
    tpu.enqueue_dma source(%dma_start3A_110 : memref<25x128xf32, #tpu.memory_space<vmem>>) target(%dma_start3A_107 : memref<25x128xf32, #tpu.memory_space<vmem_shared>>) target_semaphore(%arg15 : memref<!tpu.dma_semaphore, #tpu.memory_space<semaphore_mem>>)
    %mul3A_111 = arith.constant 625 : i32
    %mul3A_112 = arith.muli %arg1, %mul3A_111 : i32
    %add3A_113 = arith.constant 175 : i32
    %add3A_114 = arith.addi %mul3A_112, %add3A_113 : i32
    %dma_start3A_115 = arith.constant 0 : i32
    %dma_start3A_116 = arith.constant 0 : i32
    %dma_start3A_117 = tpu.memref_slice %arg9[%dma_start3A_115, %dma_start3A_116] : memref<80x128xf32, #tpu.memory_space<vmem>> -> memref<25x128xf32, #tpu.memory_space<vmem>>
    %dma_start3A_118 = arith.constant 0 : i32
    %dma_start3A_119 = tpu.memref_slice %arg12[%add3A_114, %dma_start3A_118] : memref<10000x128xf32, #tpu.memory_space<vmem_shared>> -> memref<25x128xf32, #tpu.memory_space<vmem_shared>>
    %dma_start3A_120 = arith.constant 0 : i32
    %dma_start3A_121 = tpu.memref_slice %arg12[%add3A_114, %dma_start3A_120] : memref<10000x128xf32, #tpu.memory_space<vmem_shared>> -> memref<25x128xf32, #tpu.memory_space<vmem_shared>>
    %dma_start3A_122 = arith.constant 0 : i32
    %dma_start3A_123 = arith.constant 0 : i32
    %dma_start3A_124 = tpu.memref_slice %arg9[%dma_start3A_122, %dma_start3A_123] : memref<80x128xf32, #tpu.memory_space<vmem>> -> memref<25x128xf32, #tpu.memory_space<vmem>>
    tpu.enqueue_dma source(%dma_start3A_124 : memref<25x128xf32, #tpu.memory_space<vmem>>) target(%dma_start3A_121 : memref<25x128xf32, #tpu.memory_space<vmem_shared>>) target_semaphore(%arg15 : memref<!tpu.dma_semaphore, #tpu.memory_space<semaphore_mem>>)
    %mul3A_125 = arith.constant 625 : i32
    %mul3A_126 = arith.muli %arg1, %mul3A_125 : i32
    %add3A_127 = arith.constant 200 : i32
    %add3A_128 = arith.addi %mul3A_126, %add3A_127 : i32
    %dma_start3A_129 = arith.constant 0 : i32
    %dma_start3A_130 = arith.constant 0 : i32
    %dma_start3A_131 = tpu.memref_slice %arg9[%dma_start3A_129, %dma_start3A_130] : memref<80x128xf32, #tpu.memory_space<vmem>> -> memref<25x128xf32, #tpu.memory_space<vmem>>
    %dma_start3A_132 = arith.constant 0 : i32
    %dma_start3A_133 = tpu.memref_slice %arg12[%add3A_128, %dma_start3A_132] : memref<10000x128xf32, #tpu.memory_space<vmem_shared>> -> memref<25x128xf32, #tpu.memory_space<vmem_shared>>
    %dma_start3A_134 = arith.constant 0 : i32
    %dma_start3A_135 = tpu.memref_slice %arg12[%add3A_128, %dma_start3A_134] : memref<10000x128xf32, #tpu.memory_space<vmem_shared>> -> memref<25x128xf32, #tpu.memory_space<vmem_shared>>
    %dma_start3A_136 = arith.constant 0 : i32
    %dma_start3A_137 = arith.constant 0 : i32
    %dma_start3A_138 = tpu.memref_slice %arg9[%dma_start3A_136, %dma_start3A_137] : memref<80x128xf32, #tpu.memory_space<vmem>> -> memref<25x128xf32, #tpu.memory_space<vmem>>
    tpu.enqueue_dma source(%dma_start3A_138 : memref<25x128xf32, #tpu.memory_space<vmem>>) target(%dma_start3A_135 : memref<25x128xf32, #tpu.memory_space<vmem_shared>>) target_semaphore(%arg15 : memref<!tpu.dma_semaphore, #tpu.memory_space<semaphore_mem>>)
    %mul3A_139 = arith.constant 625 : i32
    %mul3A_140 = arith.muli %arg1, %mul3A_139 : i32
    %add3A_141 = arith.constant 225 : i32
    %add3A_142 = arith.addi %mul3A_140, %add3A_141 : i32
    %dma_start3A_143 = arith.constant 0 : i32
    %dma_start3A_144 = arith.constant 0 : i32
    %dma_start3A_145 = tpu.memref_slice %arg9[%dma_start3A_143, %dma_start3A_144] : memref<80x128xf32, #tpu.memory_space<vmem>> -> memref<25x128xf32, #tpu.memory_space<vmem>>
    %dma_start3A_146 = arith.constant 0 : i32
    %dma_start3A_147 = tpu.memref_slice %arg12[%add3A_142, %dma_start3A_146] : memref<10000x128xf32, #tpu.memory_space<vmem_shared>> -> memref<25x128xf32, #tpu.memory_space<vmem_shared>>
    %dma_start3A_148 = arith.constant 0 : i32
    %dma_start3A_149 = tpu.memref_slice %arg12[%add3A_142, %dma_start3A_148] : memref<10000x128xf32, #tpu.memory_space<vmem_shared>> -> memref<25x128xf32, #tpu.memory_space<vmem_shared>>
    %dma_start3A_150 = arith.constant 0 : i32
    %dma_start3A_151 = arith.constant 0 : i32
    %dma_start3A_152 = tpu.memref_slice %arg9[%dma_start3A_150, %dma_start3A_151] : memref<80x128xf32, #tpu.memory_space<vmem>> -> memref<25x128xf32, #tpu.memory_space<vmem>>
    tpu.enqueue_dma source(%dma_start3A_152 : memref<25x128xf32, #tpu.memory_space<vmem>>) target(%dma_start3A_149 : memref<25x128xf32, #tpu.memory_space<vmem_shared>>) target_semaphore(%arg15 : memref<!tpu.dma_semaphore, #tpu.memory_space<semaphore_mem>>)
    %mul3A_153 = arith.constant 625 : i32
    %mul3A_154 = arith.muli %arg1, %mul3A_153 : i32
    %add3A_155 = arith.constant 250 : i32
    %add3A_156 = arith.addi %mul3A_154, %add3A_155 : i32
    %dma_start3A_157 = arith.constant 0 : i32
    %dma_start3A_158 = arith.constant 0 : i32
    %dma_start3A_159 = tpu.memref_slice %arg9[%dma_start3A_157, %dma_start3A_158] : memref<80x128xf32, #tpu.memory_space<vmem>> -> memref<25x128xf32, #tpu.memory_space<vmem>>
    %dma_start3A_160 = arith.constant 0 : i32
    %dma_start3A_161 = tpu.memref_slice %arg12[%add3A_156, %dma_start3A_160] : memref<10000x128xf32, #tpu.memory_space<vmem_shared>> -> memref<25x128xf32, #tpu.memory_space<vmem_shared>>
    %dma_start3A_162 = arith.constant 0 : i32
    %dma_start3A_163 = tpu.memref_slice %arg12[%add3A_156, %dma_start3A_162] : memref<10000x128xf32, #tpu.memory_space<vmem_shared>> -> memref<25x128xf32, #tpu.memory_space<vmem_shared>>
    %dma_start3A_164 = arith.constant 0 : i32
    %dma_start3A_165 = arith.constant 0 : i32
    %dma_start3A_166 = tpu.memref_slice %arg9[%dma_start3A_164, %dma_start3A_165] : memref<80x128xf32, #tpu.memory_space<vmem>> -> memref<25x128xf32, #tpu.memory_space<vmem>>
    tpu.enqueue_dma source(%dma_start3A_166 : memref<25x128xf32, #tpu.memory_space<vmem>>) target(%dma_start3A_163 : memref<25x128xf32, #tpu.memory_space<vmem_shared>>) target_semaphore(%arg15 : memref<!tpu.dma_semaphore, #tpu.memory_space<semaphore_mem>>)
    %mul3A_167 = arith.constant 625 : i32
    %mul3A_168 = arith.muli %arg1, %mul3A_167 : i32
    %add3A_169 = arith.constant 275 : i32
    %add3A_170 = arith.addi %mul3A_168, %add3A_169 : i32
    %dma_start3A_171 = arith.constant 0 : i32
    %dma_start3A_172 = arith.constant 0 : i32
    %dma_start3A_173 = tpu.memref_slice %arg9[%dma_start3A_171, %dma_start3A_172] : memref<80x128xf32, #tpu.memory_space<vmem>> -> memref<25x128xf32, #tpu.memory_space<vmem>>
    %dma_start3A_174 = arith.constant 0 : i32
    %dma_start3A_175 = tpu.memref_slice %arg12[%add3A_170, %dma_start3A_174] : memref<10000x128xf32, #tpu.memory_space<vmem_shared>> -> memref<25x128xf32, #tpu.memory_space<vmem_shared>>
    %dma_start3A_176 = arith.constant 0 : i32
    %dma_start3A_177 = tpu.memref_slice %arg12[%add3A_170, %dma_start3A_176] : memref<10000x128xf32, #tpu.memory_space<vmem_shared>> -> memref<25x128xf32, #tpu.memory_space<vmem_shared>>
    %dma_start3A_178 = arith.constant 0 : i32
    %dma_start3A_179 = arith.constant 0 : i32
    %dma_start3A_180 = tpu.memref_slice %arg9[%dma_start3A_178, %dma_start3A_179] : memref<80x128xf32, #tpu.memory_space<vmem>> -> memref<25x128xf32, #tpu.memory_space<vmem>>
    tpu.enqueue_dma source(%dma_start3A_180 : memref<25x128xf32, #tpu.memory_space<vmem>>) target(%dma_start3A_177 : memref<25x128xf32, #tpu.memory_space<vmem_shared>>) target_semaphore(%arg15 : memref<!tpu.dma_semaphore, #tpu.memory_space<semaphore_mem>>)
    %mul3A_181 = arith.constant 625 : i32
    %mul3A_182 = arith.muli %arg1, %mul3A_181 : i32
    %add3A_183 = arith.constant 300 : i32
    %add3A_184 = arith.addi %mul3A_182, %add3A_183 : i32
    %dma_start3A_185 = arith.constant 0 : i32
    %dma_start3A_186 = arith.constant 0 : i32
    %dma_start3A_187 = tpu.memref_slice %arg9[%dma_start3A_185, %dma_start3A_186] : memref<80x128xf32, #tpu.memory_space<vmem>> -> memref<25x128xf32, #tpu.memory_space<vmem>>
    %dma_start3A_188 = arith.constant 0 : i32
    %dma_start3A_189 = tpu.memref_slice %arg12[%add3A_184, %dma_start3A_188] : memref<10000x128xf32, #tpu.memory_space<vmem_shared>> -> memref<25x128xf32, #tpu.memory_space<vmem_shared>>
    %dma_start3A_190 = arith.constant 0 : i32
    %dma_start3A_191 = tpu.memref_slice %arg12[%add3A_184, %dma_start3A_190] : memref<10000x128xf32, #tpu.memory_space<vmem_shared>> -> memref<25x128xf32, #tpu.memory_space<vmem_shared>>
    %dma_start3A_192 = arith.constant 0 : i32
    %dma_start3A_193 = arith.constant 0 : i32
    %dma_start3A_194 = tpu.memref_slice %arg9[%dma_start3A_192, %dma_start3A_193] : memref<80x128xf32, #tpu.memory_space<vmem>> -> memref<25x128xf32, #tpu.memory_space<vmem>>
    tpu.enqueue_dma source(%dma_start3A_194 : memref<25x128xf32, #tpu.memory_space<vmem>>) target(%dma_start3A_191 : memref<25x128xf32, #tpu.memory_space<vmem_shared>>) target_semaphore(%arg15 : memref<!tpu.dma_semaphore, #tpu.memory_space<semaphore_mem>>)
    %mul3A_195 = arith.constant 625 : i32
    %mul3A_196 = arith.muli %arg1, %mul3A_195 : i32
    %add3A_197 = arith.constant 325 : i32
    %add3A_198 = arith.addi %mul3A_196, %add3A_197 : i32
    %dma_start3A_199 = arith.constant 0 : i32
    %dma_start3A_200 = arith.constant 0 : i32
    %dma_start3A_201 = tpu.memref_slice %arg9[%dma_start3A_199, %dma_start3A_200] : memref<80x128xf32, #tpu.memory_space<vmem>> -> memref<25x128xf32, #tpu.memory_space<vmem>>
    %dma_start3A_202 = arith.constant 0 : i32
    %dma_start3A_203 = tpu.memref_slice %arg12[%add3A_198, %dma_start3A_202] : memref<10000x128xf32, #tpu.memory_space<vmem_shared>> -> memref<25x128xf32, #tpu.memory_space<vmem_shared>>
    %dma_start3A_204 = arith.constant 0 : i32
    %dma_start3A_205 = tpu.memref_slice %arg12[%add3A_198, %dma_start3A_204] : memref<10000x128xf32, #tpu.memory_space<vmem_shared>> -> memref<25x128xf32, #tpu.memory_space<vmem_shared>>
    %dma_start3A_206 = arith.constant 0 : i32
    %dma_start3A_207 = arith.constant 0 : i32
    %dma_start3A_208 = tpu.memref_slice %arg9[%dma_start3A_206, %dma_start3A_207] : memref<80x128xf32, #tpu.memory_space<vmem>> -> memref<25x128xf32, #tpu.memory_space<vmem>>
    tpu.enqueue_dma source(%dma_start3A_208 : memref<25x128xf32, #tpu.memory_space<vmem>>) target(%dma_start3A_205 : memref<25x128xf32, #tpu.memory_space<vmem_shared>>) target_semaphore(%arg15 : memref<!tpu.dma_semaphore, #tpu.memory_space<semaphore_mem>>)
    %mul3A_209 = arith.constant 625 : i32
    %mul3A_210 = arith.muli %arg1, %mul3A_209 : i32
    %add3A_211 = arith.constant 350 : i32
    %add3A_212 = arith.addi %mul3A_210, %add3A_211 : i32
    %dma_start3A_213 = arith.constant 0 : i32
    %dma_start3A_214 = arith.constant 0 : i32
    %dma_start3A_215 = tpu.memref_slice %arg9[%dma_start3A_213, %dma_start3A_214] : memref<80x128xf32, #tpu.memory_space<vmem>> -> memref<25x128xf32, #tpu.memory_space<vmem>>
    %dma_start3A_216 = arith.constant 0 : i32
    %dma_start3A_217 = tpu.memref_slice %arg12[%add3A_212, %dma_start3A_216] : memref<10000x128xf32, #tpu.memory_space<vmem_shared>> -> memref<25x128xf32, #tpu.memory_space<vmem_shared>>
    %dma_start3A_218 = arith.constant 0 : i32
    %dma_start3A_219 = tpu.memref_slice %arg12[%add3A_212, %dma_start3A_218] : memref<10000x128xf32, #tpu.memory_space<vmem_shared>> -> memref<25x128xf32, #tpu.memory_space<vmem_shared>>
    %dma_start3A_220 = arith.constant 0 : i32
    %dma_start3A_221 = arith.constant 0 : i32
    %dma_start3A_222 = tpu.memref_slice %arg9[%dma_start3A_220, %dma_start3A_221] : memref<80x128xf32, #tpu.memory_space<vmem>> -> memref<25x128xf32, #tpu.memory_space<vmem>>
    tpu.enqueue_dma source(%dma_start3A_222 : memref<25x128xf32, #tpu.memory_space<vmem>>) target(%dma_start3A_219 : memref<25x128xf32, #tpu.memory_space<vmem_shared>>) target_semaphore(%arg15 : memref<!tpu.dma_semaphore, #tpu.memory_space<semaphore_mem>>)
    %mul3A_223 = arith.constant 625 : i32
    %mul3A_224 = arith.muli %arg1, %mul3A_223 : i32
    %add3A_225 = arith.constant 375 : i32
    %add3A_226 = arith.addi %mul3A_224, %add3A_225 : i32
    %dma_start3A_227 = arith.constant 0 : i32
    %dma_start3A_228 = arith.constant 0 : i32
    %dma_start3A_229 = tpu.memref_slice %arg9[%dma_start3A_227, %dma_start3A_228] : memref<80x128xf32, #tpu.memory_space<vmem>> -> memref<25x128xf32, #tpu.memory_space<vmem>>
    %dma_start3A_230 = arith.constant 0 : i32
    %dma_start3A_231 = tpu.memref_slice %arg12[%add3A_226, %dma_start3A_230] : memref<10000x128xf32, #tpu.memory_space<vmem_shared>> -> memref<25x128xf32, #tpu.memory_space<vmem_shared>>
    %dma_start3A_232 = arith.constant 0 : i32
    %dma_start3A_233 = tpu.memref_slice %arg12[%add3A_226, %dma_start3A_232] : memref<10000x128xf32, #tpu.memory_space<vmem_shared>> -> memref<25x128xf32, #tpu.memory_space<vmem_shared>>
    %dma_start3A_234 = arith.constant 0 : i32
    %dma_start3A_235 = arith.constant 0 : i32
    %dma_start3A_236 = tpu.memref_slice %arg9[%dma_start3A_234, %dma_start3A_235] : memref<80x128xf32, #tpu.memory_space<vmem>> -> memref<25x128xf32, #tpu.memory_space<vmem>>
    tpu.enqueue_dma source(%dma_start3A_236 : memref<25x128xf32, #tpu.memory_space<vmem>>) target(%dma_start3A_233 : memref<25x128xf32, #tpu.memory_space<vmem_shared>>) target_semaphore(%arg15 : memref<!tpu.dma_semaphore, #tpu.memory_space<semaphore_mem>>)
    %mul3A_237 = arith.constant 625 : i32
    %mul3A_238 = arith.muli %arg1, %mul3A_237 : i32
    %add3A_239 = arith.constant 400 : i32
    %add3A_240 = arith.addi %mul3A_238, %add3A_239 : i32
    %dma_start3A_241 = arith.constant 0 : i32
    %dma_start3A_242 = arith.constant 0 : i32
    %dma_start3A_243 = tpu.memref_slice %arg9[%dma_start3A_241, %dma_start3A_242] : memref<80x128xf32, #tpu.memory_space<vmem>> -> memref<25x128xf32, #tpu.memory_space<vmem>>
    %dma_start3A_244 = arith.constant 0 : i32
    %dma_start3A_245 = tpu.memref_slice %arg12[%add3A_240, %dma_start3A_244] : memref<10000x128xf32, #tpu.memory_space<vmem_shared>> -> memref<25x128xf32, #tpu.memory_space<vmem_shared>>
    %dma_start3A_246 = arith.constant 0 : i32
    %dma_start3A_247 = tpu.memref_slice %arg12[%add3A_240, %dma_start3A_246] : memref<10000x128xf32, #tpu.memory_space<vmem_shared>> -> memref<25x128xf32, #tpu.memory_space<vmem_shared>>
    %dma_start3A_248 = arith.constant 0 : i32
    %dma_start3A_249 = arith.constant 0 : i32
    %dma_start3A_250 = tpu.memref_slice %arg9[%dma_start3A_248, %dma_start3A_249] : memref<80x128xf32, #tpu.memory_space<vmem>> -> memref<25x128xf32, #tpu.memory_space<vmem>>
    tpu.enqueue_dma source(%dma_start3A_250 : memref<25x128xf32, #tpu.memory_space<vmem>>) target(%dma_start3A_247 : memref<25x128xf32, #tpu.memory_space<vmem_shared>>) target_semaphore(%arg15 : memref<!tpu.dma_semaphore, #tpu.memory_space<semaphore_mem>>)
    %mul3A_251 = arith.constant 625 : i32
    %mul3A_252 = arith.muli %arg1, %mul3A_251 : i32
    %add3A_253 = arith.constant 425 : i32
    %add3A_254 = arith.addi %mul3A_252, %add3A_253 : i32
    %dma_start3A_255 = arith.constant 0 : i32
    %dma_start3A_256 = arith.constant 0 : i32
    %dma_start3A_257 = tpu.memref_slice %arg9[%dma_start3A_255, %dma_start3A_256] : memref<80x128xf32, #tpu.memory_space<vmem>> -> memref<25x128xf32, #tpu.memory_space<vmem>>
    %dma_start3A_258 = arith.constant 0 : i32
    %dma_start3A_259 = tpu.memref_slice %arg12[%add3A_254, %dma_start3A_258] : memref<10000x128xf32, #tpu.memory_space<vmem_shared>> -> memref<25x128xf32, #tpu.memory_space<vmem_shared>>
    %dma_start3A_260 = arith.constant 0 : i32
    %dma_start3A_261 = tpu.memref_slice %arg12[%add3A_254, %dma_start3A_260] : memref<10000x128xf32, #tpu.memory_space<vmem_shared>> -> memref<25x128xf32, #tpu.memory_space<vmem_shared>>
    %dma_start3A_262 = arith.constant 0 : i32
    %dma_start3A_263 = arith.constant 0 : i32
    %dma_start3A_264 = tpu.memref_slice %arg9[%dma_start3A_262, %dma_start3A_263] : memref<80x128xf32, #tpu.memory_space<vmem>> -> memref<25x128xf32, #tpu.memory_space<vmem>>
    tpu.enqueue_dma source(%dma_start3A_264 : memref<25x128xf32, #tpu.memory_space<vmem>>) target(%dma_start3A_261 : memref<25x128xf32, #tpu.memory_space<vmem_shared>>) target_semaphore(%arg15 : memref<!tpu.dma_semaphore, #tpu.memory_space<semaphore_mem>>)
    %mul3A_265 = arith.constant 625 : i32
    %mul3A_266 = arith.muli %arg1, %mul3A_265 : i32
    %add3A_267 = arith.constant 450 : i32
    %add3A_268 = arith.addi %mul3A_266, %add3A_267 : i32
    %dma_start3A_269 = arith.constant 0 : i32
    %dma_start3A_270 = arith.constant 0 : i32
    %dma_start3A_271 = tpu.memref_slice %arg9[%dma_start3A_269, %dma_start3A_270] : memref<80x128xf32, #tpu.memory_space<vmem>> -> memref<25x128xf32, #tpu.memory_space<vmem>>
    %dma_start3A_272 = arith.constant 0 : i32
    %dma_start3A_273 = tpu.memref_slice %arg12[%add3A_268, %dma_start3A_272] : memref<10000x128xf32, #tpu.memory_space<vmem_shared>> -> memref<25x128xf32, #tpu.memory_space<vmem_shared>>
    %dma_start3A_274 = arith.constant 0 : i32
    %dma_start3A_275 = tpu.memref_slice %arg12[%add3A_268, %dma_start3A_274] : memref<10000x128xf32, #tpu.memory_space<vmem_shared>> -> memref<25x128xf32, #tpu.memory_space<vmem_shared>>
    %dma_start3A_276 = arith.constant 0 : i32
    %dma_start3A_277 = arith.constant 0 : i32
    %dma_start3A_278 = tpu.memref_slice %arg9[%dma_start3A_276, %dma_start3A_277] : memref<80x128xf32, #tpu.memory_space<vmem>> -> memref<25x128xf32, #tpu.memory_space<vmem>>
    tpu.enqueue_dma source(%dma_start3A_278 : memref<25x128xf32, #tpu.memory_space<vmem>>) target(%dma_start3A_275 : memref<25x128xf32, #tpu.memory_space<vmem_shared>>) target_semaphore(%arg15 : memref<!tpu.dma_semaphore, #tpu.memory_space<semaphore_mem>>)
    %mul3A_279 = arith.constant 625 : i32
    %mul3A_280 = arith.muli %arg1, %mul3A_279 : i32
    %add3A_281 = arith.constant 475 : i32
    %add3A_282 = arith.addi %mul3A_280, %add3A_281 : i32
    %dma_start3A_283 = arith.constant 0 : i32
    %dma_start3A_284 = arith.constant 0 : i32
    %dma_start3A_285 = tpu.memref_slice %arg9[%dma_start3A_283, %dma_start3A_284] : memref<80x128xf32, #tpu.memory_space<vmem>> -> memref<25x128xf32, #tpu.memory_space<vmem>>
    %dma_start3A_286 = arith.constant 0 : i32
    %dma_start3A_287 = tpu.memref_slice %arg12[%add3A_282, %dma_start3A_286] : memref<10000x128xf32, #tpu.memory_space<vmem_shared>> -> memref<25x128xf32, #tpu.memory_space<vmem_shared>>
    %dma_start3A_288 = arith.constant 0 : i32
    %dma_start3A_289 = tpu.memref_slice %arg12[%add3A_282, %dma_start3A_288] : memref<10000x128xf32, #tpu.memory_space<vmem_shared>> -> memref<25x128xf32, #tpu.memory_space<vmem_shared>>
    %dma_start3A_290 = arith.constant 0 : i32
    %dma_start3A_291 = arith.constant 0 : i32
    %dma_start3A_292 = tpu.memref_slice %arg9[%dma_start3A_290, %dma_start3A_291] : memref<80x128xf32, #tpu.memory_space<vmem>> -> memref<25x128xf32, #tpu.memory_space<vmem>>
    tpu.enqueue_dma source(%dma_start3A_292 : memref<25x128xf32, #tpu.memory_space<vmem>>) target(%dma_start3A_289 : memref<25x128xf32, #tpu.memory_space<vmem_shared>>) target_semaphore(%arg15 : memref<!tpu.dma_semaphore, #tpu.memory_space<semaphore_mem>>)
    %mul3A_293 = arith.constant 625 : i32
    %mul3A_294 = arith.muli %arg1, %mul3A_293 : i32
    %add3A_295 = arith.constant 500 : i32
    %add3A_296 = arith.addi %mul3A_294, %add3A_295 : i32
    %dma_start3A_297 = arith.constant 0 : i32
    %dma_start3A_298 = arith.constant 0 : i32
    %dma_start3A_299 = tpu.memref_slice %arg9[%dma_start3A_297, %dma_start3A_298] : memref<80x128xf32, #tpu.memory_space<vmem>> -> memref<25x128xf32, #tpu.memory_space<vmem>>
    %dma_start3A_300 = arith.constant 0 : i32
    %dma_start3A_301 = tpu.memref_slice %arg12[%add3A_296, %dma_start3A_300] : memref<10000x128xf32, #tpu.memory_space<vmem_shared>> -> memref<25x128xf32, #tpu.memory_space<vmem_shared>>
    %dma_start3A_302 = arith.constant 0 : i32
    %dma_start3A_303 = tpu.memref_slice %arg12[%add3A_296, %dma_start3A_302] : memref<10000x128xf32, #tpu.memory_space<vmem_shared>> -> memref<25x128xf32, #tpu.memory_space<vmem_shared>>
    %dma_start3A_304 = arith.constant 0 : i32
    %dma_start3A_305 = arith.constant 0 : i32
    %dma_start3A_306 = tpu.memref_slice %arg9[%dma_start3A_304, %dma_start3A_305] : memref<80x128xf32, #tpu.memory_space<vmem>> -> memref<25x128xf32, #tpu.memory_space<vmem>>
    tpu.enqueue_dma source(%dma_start3A_306 : memref<25x128xf32, #tpu.memory_space<vmem>>) target(%dma_start3A_303 : memref<25x128xf32, #tpu.memory_space<vmem_shared>>) target_semaphore(%arg15 : memref<!tpu.dma_semaphore, #tpu.memory_space<semaphore_mem>>)
    %mul3A_307 = arith.constant 625 : i32
    %mul3A_308 = arith.muli %arg1, %mul3A_307 : i32
    %add3A_309 = arith.constant 525 : i32
    %add3A_310 = arith.addi %mul3A_308, %add3A_309 : i32
    %dma_start3A_311 = arith.constant 0 : i32
    %dma_start3A_312 = arith.constant 0 : i32
    %dma_start3A_313 = tpu.memref_slice %arg9[%dma_start3A_311, %dma_start3A_312] : memref<80x128xf32, #tpu.memory_space<vmem>> -> memref<25x128xf32, #tpu.memory_space<vmem>>
    %dma_start3A_314 = arith.constant 0 : i32
    %dma_start3A_315 = tpu.memref_slice %arg12[%add3A_310, %dma_start3A_314] : memref<10000x128xf32, #tpu.memory_space<vmem_shared>> -> memref<25x128xf32, #tpu.memory_space<vmem_shared>>
    %dma_start3A_316 = arith.constant 0 : i32
    %dma_start3A_317 = tpu.memref_slice %arg12[%add3A_310, %dma_start3A_316] : memref<10000x128xf32, #tpu.memory_space<vmem_shared>> -> memref<25x128xf32, #tpu.memory_space<vmem_shared>>
    %dma_start3A_318 = arith.constant 0 : i32
    %dma_start3A_319 = arith.constant 0 : i32
    %dma_start3A_320 = tpu.memref_slice %arg9[%dma_start3A_318, %dma_start3A_319] : memref<80x128xf32, #tpu.memory_space<vmem>> -> memref<25x128xf32, #tpu.memory_space<vmem>>
    tpu.enqueue_dma source(%dma_start3A_320 : memref<25x128xf32, #tpu.memory_space<vmem>>) target(%dma_start3A_317 : memref<25x128xf32, #tpu.memory_space<vmem_shared>>) target_semaphore(%arg15 : memref<!tpu.dma_semaphore, #tpu.memory_space<semaphore_mem>>)
    %mul3A_321 = arith.constant 625 : i32
    %mul3A_322 = arith.muli %arg1, %mul3A_321 : i32
    %add3A_323 = arith.constant 550 : i32
    %add3A_324 = arith.addi %mul3A_322, %add3A_323 : i32
    %dma_start3A_325 = arith.constant 0 : i32
    %dma_start3A_326 = arith.constant 0 : i32
    %dma_start3A_327 = tpu.memref_slice %arg9[%dma_start3A_325, %dma_start3A_326] : memref<80x128xf32, #tpu.memory_space<vmem>> -> memref<25x128xf32, #tpu.memory_space<vmem>>
    %dma_start3A_328 = arith.constant 0 : i32
    %dma_start3A_329 = tpu.memref_slice %arg12[%add3A_324, %dma_start3A_328] : memref<10000x128xf32, #tpu.memory_space<vmem_shared>> -> memref<25x128xf32, #tpu.memory_space<vmem_shared>>
    %dma_start3A_330 = arith.constant 0 : i32
    %dma_start3A_331 = tpu.memref_slice %arg12[%add3A_324, %dma_start3A_330] : memref<10000x128xf32, #tpu.memory_space<vmem_shared>> -> memref<25x128xf32, #tpu.memory_space<vmem_shared>>
    %dma_start3A_332 = arith.constant 0 : i32
    %dma_start3A_333 = arith.constant 0 : i32
    %dma_start3A_334 = tpu.memref_slice %arg9[%dma_start3A_332, %dma_start3A_333] : memref<80x128xf32, #tpu.memory_space<vmem>> -> memref<25x128xf32, #tpu.memory_space<vmem>>
    tpu.enqueue_dma source(%dma_start3A_334 : memref<25x128xf32, #tpu.memory_space<vmem>>) target(%dma_start3A_331 : memref<25x128xf32, #tpu.memory_space<vmem_shared>>) target_semaphore(%arg15 : memref<!tpu.dma_semaphore, #tpu.memory_space<semaphore_mem>>)
    %mul3A_335 = arith.constant 625 : i32
    %mul3A_336 = arith.muli %arg1, %mul3A_335 : i32
    %add3A_337 = arith.constant 575 : i32
    %add3A_338 = arith.addi %mul3A_336, %add3A_337 : i32
    %dma_start3A_339 = arith.constant 0 : i32
    %dma_start3A_340 = arith.constant 0 : i32
    %dma_start3A_341 = tpu.memref_slice %arg9[%dma_start3A_339, %dma_start3A_340] : memref<80x128xf32, #tpu.memory_space<vmem>> -> memref<25x128xf32, #tpu.memory_space<vmem>>
    %dma_start3A_342 = arith.constant 0 : i32
    %dma_start3A_343 = tpu.memref_slice %arg12[%add3A_338, %dma_start3A_342] : memref<10000x128xf32, #tpu.memory_space<vmem_shared>> -> memref<25x128xf32, #tpu.memory_space<vmem_shared>>
    %dma_start3A_344 = arith.constant 0 : i32
    %dma_start3A_345 = tpu.memref_slice %arg12[%add3A_338, %dma_start3A_344] : memref<10000x128xf32, #tpu.memory_space<vmem_shared>> -> memref<25x128xf32, #tpu.memory_space<vmem_shared>>
    %dma_start3A_346 = arith.constant 0 : i32
    %dma_start3A_347 = arith.constant 0 : i32
    %dma_start3A_348 = tpu.memref_slice %arg9[%dma_start3A_346, %dma_start3A_347] : memref<80x128xf32, #tpu.memory_space<vmem>> -> memref<25x128xf32, #tpu.memory_space<vmem>>
    tpu.enqueue_dma source(%dma_start3A_348 : memref<25x128xf32, #tpu.memory_space<vmem>>) target(%dma_start3A_345 : memref<25x128xf32, #tpu.memory_space<vmem_shared>>) target_semaphore(%arg15 : memref<!tpu.dma_semaphore, #tpu.memory_space<semaphore_mem>>)
    %mul3A_349 = arith.constant 625 : i32
    %mul3A_350 = arith.muli %arg1, %mul3A_349 : i32
    %add3A_351 = arith.constant 600 : i32
    %add3A_352 = arith.addi %mul3A_350, %add3A_351 : i32
    %dma_start3A_353 = arith.constant 0 : i32
    %dma_start3A_354 = arith.constant 0 : i32
    %dma_start3A_355 = tpu.memref_slice %arg9[%dma_start3A_353, %dma_start3A_354] : memref<80x128xf32, #tpu.memory_space<vmem>> -> memref<25x128xf32, #tpu.memory_space<vmem>>
    %dma_start3A_356 = arith.constant 0 : i32
    %dma_start3A_357 = tpu.memref_slice %arg12[%add3A_352, %dma_start3A_356] : memref<10000x128xf32, #tpu.memory_space<vmem_shared>> -> memref<25x128xf32, #tpu.memory_space<vmem_shared>>
    %dma_start3A_358 = arith.constant 0 : i32
    %dma_start3A_359 = tpu.memref_slice %arg12[%add3A_352, %dma_start3A_358] : memref<10000x128xf32, #tpu.memory_space<vmem_shared>> -> memref<25x128xf32, #tpu.memory_space<vmem_shared>>
    %dma_start3A_360 = arith.constant 0 : i32
    %dma_start3A_361 = arith.constant 0 : i32
    %dma_start3A_362 = tpu.memref_slice %arg9[%dma_start3A_360, %dma_start3A_361] : memref<80x128xf32, #tpu.memory_space<vmem>> -> memref<25x128xf32, #tpu.memory_space<vmem>>
    tpu.enqueue_dma source(%dma_start3A_362 : memref<25x128xf32, #tpu.memory_space<vmem>>) target(%dma_start3A_359 : memref<25x128xf32, #tpu.memory_space<vmem_shared>>) target_semaphore(%arg15 : memref<!tpu.dma_semaphore, #tpu.memory_space<semaphore_mem>>)
    %scan3A_363 = arith.constant 0 : i32
    %scan3A_364 = arith.constant 0 : i32
    %scan3A_365 = arith.constant 625 : i32
    %scan3A_366 = arith.addi %scan3A_364, %scan3A_365 : i32
    %scan3A_367 = arith.constant 1 : i32
    scf.for %scan3A_722 = %scan3A_364 to %scan3A_366 step %scan3A_367  : i32 {
      %broadcast_in_dim3A_723 = arith.constant 0.000000e+00 : f32
      %broadcast_in_dim3A_724 = vector.broadcast %broadcast_in_dim3A_723 : f32 to vector<16xf32>
      %mul3A_725 = arith.constant 16 : i32
      %mul3A_726 = arith.muli %scan3A_722, %mul3A_725 : i32
      %swap3A = arith.index_cast %mul3A_726 : i32 to index
      %swap3A_727 = tpu.vector_load %arg11[%swap3A] {strides = array<i32>} : memref<10000xf32, #tpu.memory_space<vmem>>, vector<16xf32>,
      tpu.vector_store %arg11[%swap3A], %broadcast_in_dim3A_724 {strides = array<i32>} : memref<10000xf32, #tpu.memory_space<vmem>>, vector<16xf32>,
    }
    %scan3A_368 = arith.constant 625 : i32
    %dma_wait3A = arith.constant 0 : i32
    %dma_wait3A_369 = arith.constant 0 : i32
    %dma_wait3A_370 = tpu.memref_slice %arg9[%dma_wait3A, %dma_wait3A_369] : memref<80x128xf32, #tpu.memory_space<vmem>> -> memref<25x128xf32, #tpu.memory_space<vmem>>
    %dma_wait3A_371 = arith.constant 0 : i32
    %dma_wait3A_372 = tpu.memref_slice %arg12[%add3A_16, %dma_wait3A_371] : memref<10000x128xf32, #tpu.memory_space<vmem_shared>> -> memref<25x128xf32, #tpu.memory_space<vmem_shared>>
    %dma_wait3A_373 = arith.constant 0 : i32
    %dma_wait3A_374 = tpu.memref_slice %arg12[%add3A_16, %dma_wait3A_373] : memref<10000x128xf32, #tpu.memory_space<vmem_shared>> -> memref<25x128xf32, #tpu.memory_space<vmem_shared>>
    %dma_wait3A_375 = arith.constant 0 : i32
    %dma_wait3A_376 = arith.constant 0 : i32
    %dma_wait3A_377 = tpu.memref_slice %arg9[%dma_wait3A_375, %dma_wait3A_376] : memref<80x128xf32, #tpu.memory_space<vmem>> -> memref<25x128xf32, #tpu.memory_space<vmem>>
    tpu.wait_dma2 semaphore(%arg15 : memref<!tpu.dma_semaphore, #tpu.memory_space<semaphore_mem>>) src(%dma_wait3A_377 : memref<25x128xf32, #tpu.memory_space<vmem>>) dst(%dma_wait3A_374 : memref<25x128xf32, #tpu.memory_space<vmem_shared>>)
    %dma_wait3A_378 = arith.constant 0 : i32
    %dma_wait3A_379 = arith.constant 0 : i32
    %dma_wait3A_380 = tpu.memref_slice %arg9[%dma_wait3A_378, %dma_wait3A_379] : memref<80x128xf32, #tpu.memory_space<vmem>> -> memref<25x128xf32, #tpu.memory_space<vmem>>
    %dma_wait3A_381 = arith.constant 0 : i32
    %dma_wait3A_382 = tpu.memref_slice %arg12[%add3A_30, %dma_wait3A_381] : memref<10000x128xf32, #tpu.memory_space<vmem_shared>> -> memref<25x128xf32, #tpu.memory_space<vmem_shared>>
    %dma_wait3A_383 = arith.constant 0 : i32
    %dma_wait3A_384 = tpu.memref_slice %arg12[%add3A_30, %dma_wait3A_383] : memref<10000x128xf32, #tpu.memory_space<vmem_shared>> -> memref<25x128xf32, #tpu.memory_space<vmem_shared>>
    %dma_wait3A_385 = arith.constant 0 : i32
    %dma_wait3A_386 = arith.constant 0 : i32
    %dma_wait3A_387 = tpu.memref_slice %arg9[%dma_wait3A_385, %dma_wait3A_386] : memref<80x128xf32, #tpu.memory_space<vmem>> -> memref<25x128xf32, #tpu.memory_space<vmem>>
    tpu.wait_dma2 semaphore(%arg15 : memref<!tpu.dma_semaphore, #tpu.memory_space<semaphore_mem>>) src(%dma_wait3A_387 : memref<25x128xf32, #tpu.memory_space<vmem>>) dst(%dma_wait3A_384 : memref<25x128xf32, #tpu.memory_space<vmem_shared>>)
    %dma_wait3A_388 = arith.constant 0 : i32
    %dma_wait3A_389 = arith.constant 0 : i32
    %dma_wait3A_390 = tpu.memref_slice %arg9[%dma_wait3A_388, %dma_wait3A_389] : memref<80x128xf32, #tpu.memory_space<vmem>> -> memref<25x128xf32, #tpu.memory_space<vmem>>
    %dma_wait3A_391 = arith.constant 0 : i32
    %dma_wait3A_392 = tpu.memref_slice %arg12[%add3A_44, %dma_wait3A_391] : memref<10000x128xf32, #tpu.memory_space<vmem_shared>> -> memref<25x128xf32, #tpu.memory_space<vmem_shared>>
    %dma_wait3A_393 = arith.constant 0 : i32
    %dma_wait3A_394 = tpu.memref_slice %arg12[%add3A_44, %dma_wait3A_393] : memref<10000x128xf32, #tpu.memory_space<vmem_shared>> -> memref<25x128xf32, #tpu.memory_space<vmem_shared>>
    %dma_wait3A_395 = arith.constant 0 : i32
    %dma_wait3A_396 = arith.constant 0 : i32
    %dma_wait3A_397 = tpu.memref_slice %arg9[%dma_wait3A_395, %dma_wait3A_396] : memref<80x128xf32, #tpu.memory_space<vmem>> -> memref<25x128xf32, #tpu.memory_space<vmem>>
    tpu.wait_dma2 semaphore(%arg15 : memref<!tpu.dma_semaphore, #tpu.memory_space<semaphore_mem>>) src(%dma_wait3A_397 : memref<25x128xf32, #tpu.memory_space<vmem>>) dst(%dma_wait3A_394 : memref<25x128xf32, #tpu.memory_space<vmem_shared>>)
    %dma_wait3A_398 = arith.constant 0 : i32
    %dma_wait3A_399 = arith.constant 0 : i32
    %dma_wait3A_400 = tpu.memref_slice %arg9[%dma_wait3A_398, %dma_wait3A_399] : memref<80x128xf32, #tpu.memory_space<vmem>> -> memref<25x128xf32, #tpu.memory_space<vmem>>
    %dma_wait3A_401 = arith.constant 0 : i32
    %dma_wait3A_402 = tpu.memref_slice %arg12[%add3A_58, %dma_wait3A_401] : memref<10000x128xf32, #tpu.memory_space<vmem_shared>> -> memref<25x128xf32, #tpu.memory_space<vmem_shared>>
    %dma_wait3A_403 = arith.constant 0 : i32
    %dma_wait3A_404 = tpu.memref_slice %arg12[%add3A_58, %dma_wait3A_403] : memref<10000x128xf32, #tpu.memory_space<vmem_shared>> -> memref<25x128xf32, #tpu.memory_space<vmem_shared>>
    %dma_wait3A_405 = arith.constant 0 : i32
    %dma_wait3A_406 = arith.constant 0 : i32
    %dma_wait3A_407 = tpu.memref_slice %arg9[%dma_wait3A_405, %dma_wait3A_406] : memref<80x128xf32, #tpu.memory_space<vmem>> -> memref<25x128xf32, #tpu.memory_space<vmem>>
    tpu.wait_dma2 semaphore(%arg15 : memref<!tpu.dma_semaphore, #tpu.memory_space<semaphore_mem>>) src(%dma_wait3A_407 : memref<25x128xf32, #tpu.memory_space<vmem>>) dst(%dma_wait3A_404 : memref<25x128xf32, #tpu.memory_space<vmem_shared>>)
    %dma_wait3A_408 = arith.constant 0 : i32
    %dma_wait3A_409 = arith.constant 0 : i32
    %dma_wait3A_410 = tpu.memref_slice %arg9[%dma_wait3A_408, %dma_wait3A_409] : memref<80x128xf32, #tpu.memory_space<vmem>> -> memref<25x128xf32, #tpu.memory_space<vmem>>
    %dma_wait3A_411 = arith.constant 0 : i32
    %dma_wait3A_412 = tpu.memref_slice %arg12[%add3A_72, %dma_wait3A_411] : memref<10000x128xf32, #tpu.memory_space<vmem_shared>> -> memref<25x128xf32, #tpu.memory_space<vmem_shared>>
    %dma_wait3A_413 = arith.constant 0 : i32
    %dma_wait3A_414 = tpu.memref_slice %arg12[%add3A_72, %dma_wait3A_413] : memref<10000x128xf32, #tpu.memory_space<vmem_shared>> -> memref<25x128xf32, #tpu.memory_space<vmem_shared>>
    %dma_wait3A_415 = arith.constant 0 : i32
    %dma_wait3A_416 = arith.constant 0 : i32
    %dma_wait3A_417 = tpu.memref_slice %arg9[%dma_wait3A_415, %dma_wait3A_416] : memref<80x128xf32, #tpu.memory_space<vmem>> -> memref<25x128xf32, #tpu.memory_space<vmem>>
    tpu.wait_dma2 semaphore(%arg15 : memref<!tpu.dma_semaphore, #tpu.memory_space<semaphore_mem>>) src(%dma_wait3A_417 : memref<25x128xf32, #tpu.memory_space<vmem>>) dst(%dma_wait3A_414 : memref<25x128xf32, #tpu.memory_space<vmem_shared>>)
    %dma_wait3A_418 = arith.constant 0 : i32
    %dma_wait3A_419 = arith.constant 0 : i32
    %dma_wait3A_420 = tpu.memref_slice %arg9[%dma_wait3A_418, %dma_wait3A_419] : memref<80x128xf32, #tpu.memory_space<vmem>> -> memref<25x128xf32, #tpu.memory_space<vmem>>
    %dma_wait3A_421 = arith.constant 0 : i32
    %dma_wait3A_422 = tpu.memref_slice %arg12[%add3A_86, %dma_wait3A_421] : memref<10000x128xf32, #tpu.memory_space<vmem_shared>> -> memref<25x128xf32, #tpu.memory_space<vmem_shared>>
    %dma_wait3A_423 = arith.constant 0 : i32
    %dma_wait3A_424 = tpu.memref_slice %arg12[%add3A_86, %dma_wait3A_423] : memref<10000x128xf32, #tpu.memory_space<vmem_shared>> -> memref<25x128xf32, #tpu.memory_space<vmem_shared>>
    %dma_wait3A_425 = arith.constant 0 : i32
    %dma_wait3A_426 = arith.constant 0 : i32
    %dma_wait3A_427 = tpu.memref_slice %arg9[%dma_wait3A_425, %dma_wait3A_426] : memref<80x128xf32, #tpu.memory_space<vmem>> -> memref<25x128xf32, #tpu.memory_space<vmem>>
    tpu.wait_dma2 semaphore(%arg15 : memref<!tpu.dma_semaphore, #tpu.memory_space<semaphore_mem>>) src(%dma_wait3A_427 : memref<25x128xf32, #tpu.memory_space<vmem>>) dst(%dma_wait3A_424 : memref<25x128xf32, #tpu.memory_space<vmem_shared>>)
    %dma_wait3A_428 = arith.constant 0 : i32
    %dma_wait3A_429 = arith.constant 0 : i32
    %dma_wait3A_430 = tpu.memref_slice %arg9[%dma_wait3A_428, %dma_wait3A_429] : memref<80x128xf32, #tpu.memory_space<vmem>> -> memref<25x128xf32, #tpu.memory_space<vmem>>
    %dma_wait3A_431 = arith.constant 0 : i32
    %dma_wait3A_432 = tpu.memref_slice %arg12[%add3A_100, %dma_wait3A_431] : memref<10000x128xf32, #tpu.memory_space<vmem_shared>> -> memref<25x128xf32, #tpu.memory_space<vmem_shared>>
    %dma_wait3A_433 = arith.constant 0 : i32
    %dma_wait3A_434 = tpu.memref_slice %arg12[%add3A_100, %dma_wait3A_433] : memref<10000x128xf32, #tpu.memory_space<vmem_shared>> -> memref<25x128xf32, #tpu.memory_space<vmem_shared>>
    %dma_wait3A_435 = arith.constant 0 : i32
    %dma_wait3A_436 = arith.constant 0 : i32
    %dma_wait3A_437 = tpu.memref_slice %arg9[%dma_wait3A_435, %dma_wait3A_436] : memref<80x128xf32, #tpu.memory_space<vmem>> -> memref<25x128xf32, #tpu.memory_space<vmem>>
    tpu.wait_dma2 semaphore(%arg15 : memref<!tpu.dma_semaphore, #tpu.memory_space<semaphore_mem>>) src(%dma_wait3A_437 : memref<25x128xf32, #tpu.memory_space<vmem>>) dst(%dma_wait3A_434 : memref<25x128xf32, #tpu.memory_space<vmem_shared>>)
    %dma_wait3A_438 = arith.constant 0 : i32
    %dma_wait3A_439 = arith.constant 0 : i32
    %dma_wait3A_440 = tpu.memref_slice %arg9[%dma_wait3A_438, %dma_wait3A_439] : memref<80x128xf32, #tpu.memory_space<vmem>> -> memref<25x128xf32, #tpu.memory_space<vmem>>
    %dma_wait3A_441 = arith.constant 0 : i32
    %dma_wait3A_442 = tpu.memref_slice %arg12[%add3A_114, %dma_wait3A_441] : memref<10000x128xf32, #tpu.memory_space<vmem_shared>> -> memref<25x128xf32, #tpu.memory_space<vmem_shared>>
    %dma_wait3A_443 = arith.constant 0 : i32
    %dma_wait3A_444 = tpu.memref_slice %arg12[%add3A_114, %dma_wait3A_443] : memref<10000x128xf32, #tpu.memory_space<vmem_shared>> -> memref<25x128xf32, #tpu.memory_space<vmem_shared>>
    %dma_wait3A_445 = arith.constant 0 : i32
    %dma_wait3A_446 = arith.constant 0 : i32
    %dma_wait3A_447 = tpu.memref_slice %arg9[%dma_wait3A_445, %dma_wait3A_446] : memref<80x128xf32, #tpu.memory_space<vmem>> -> memref<25x128xf32, #tpu.memory_space<vmem>>
    tpu.wait_dma2 semaphore(%arg15 : memref<!tpu.dma_semaphore, #tpu.memory_space<semaphore_mem>>) src(%dma_wait3A_447 : memref<25x128xf32, #tpu.memory_space<vmem>>) dst(%dma_wait3A_444 : memref<25x128xf32, #tpu.memory_space<vmem_shared>>)
    %dma_wait3A_448 = arith.constant 0 : i32
    %dma_wait3A_449 = arith.constant 0 : i32
    %dma_wait3A_450 = tpu.memref_slice %arg9[%dma_wait3A_448, %dma_wait3A_449] : memref<80x128xf32, #tpu.memory_space<vmem>> -> memref<25x128xf32, #tpu.memory_space<vmem>>
    %dma_wait3A_451 = arith.constant 0 : i32
    %dma_wait3A_452 = tpu.memref_slice %arg12[%add3A_128, %dma_wait3A_451] : memref<10000x128xf32, #tpu.memory_space<vmem_shared>> -> memref<25x128xf32, #tpu.memory_space<vmem_shared>>
    %dma_wait3A_453 = arith.constant 0 : i32
    %dma_wait3A_454 = tpu.memref_slice %arg12[%add3A_128, %dma_wait3A_453] : memref<10000x128xf32, #tpu.memory_space<vmem_shared>> -> memref<25x128xf32, #tpu.memory_space<vmem_shared>>
    %dma_wait3A_455 = arith.constant 0 : i32
    %dma_wait3A_456 = arith.constant 0 : i32
    %dma_wait3A_457 = tpu.memref_slice %arg9[%dma_wait3A_455, %dma_wait3A_456] : memref<80x128xf32, #tpu.memory_space<vmem>> -> memref<25x128xf32, #tpu.memory_space<vmem>>
    tpu.wait_dma2 semaphore(%arg15 : memref<!tpu.dma_semaphore, #tpu.memory_space<semaphore_mem>>) src(%dma_wait3A_457 : memref<25x128xf32, #tpu.memory_space<vmem>>) dst(%dma_wait3A_454 : memref<25x128xf32, #tpu.memory_space<vmem_shared>>)
    %dma_wait3A_458 = arith.constant 0 : i32
    %dma_wait3A_459 = arith.constant 0 : i32
    %dma_wait3A_460 = tpu.memref_slice %arg9[%dma_wait3A_458, %dma_wait3A_459] : memref<80x128xf32, #tpu.memory_space<vmem>> -> memref<25x128xf32, #tpu.memory_space<vmem>>
    %dma_wait3A_461 = arith.constant 0 : i32
    %dma_wait3A_462 = tpu.memref_slice %arg12[%add3A_142, %dma_wait3A_461] : memref<10000x128xf32, #tpu.memory_space<vmem_shared>> -> memref<25x128xf32, #tpu.memory_space<vmem_shared>>
    %dma_wait3A_463 = arith.constant 0 : i32
    %dma_wait3A_464 = tpu.memref_slice %arg12[%add3A_142, %dma_wait3A_463] : memref<10000x128xf32, #tpu.memory_space<vmem_shared>> -> memref<25x128xf32, #tpu.memory_space<vmem_shared>>
    %dma_wait3A_465 = arith.constant 0 : i32
    %dma_wait3A_466 = arith.constant 0 : i32
    %dma_wait3A_467 = tpu.memref_slice %arg9[%dma_wait3A_465, %dma_wait3A_466] : memref<80x128xf32, #tpu.memory_space<vmem>> -> memref<25x128xf32, #tpu.memory_space<vmem>>
    tpu.wait_dma2 semaphore(%arg15 : memref<!tpu.dma_semaphore, #tpu.memory_space<semaphore_mem>>) src(%dma_wait3A_467 : memref<25x128xf32, #tpu.memory_space<vmem>>) dst(%dma_wait3A_464 : memref<25x128xf32, #tpu.memory_space<vmem_shared>>)
    %dma_wait3A_468 = arith.constant 0 : i32
    %dma_wait3A_469 = arith.constant 0 : i32
    %dma_wait3A_470 = tpu.memref_slice %arg9[%dma_wait3A_468, %dma_wait3A_469] : memref<80x128xf32, #tpu.memory_space<vmem>> -> memref<25x128xf32, #tpu.memory_space<vmem>>
    %dma_wait3A_471 = arith.constant 0 : i32
    %dma_wait3A_472 = tpu.memref_slice %arg12[%add3A_156, %dma_wait3A_471] : memref<10000x128xf32, #tpu.memory_space<vmem_shared>> -> memref<25x128xf32, #tpu.memory_space<vmem_shared>>
    %dma_wait3A_473 = arith.constant 0 : i32
    %dma_wait3A_474 = tpu.memref_slice %arg12[%add3A_156, %dma_wait3A_473] : memref<10000x128xf32, #tpu.memory_space<vmem_shared>> -> memref<25x128xf32, #tpu.memory_space<vmem_shared>>
    %dma_wait3A_475 = arith.constant 0 : i32
    %dma_wait3A_476 = arith.constant 0 : i32
    %dma_wait3A_477 = tpu.memref_slice %arg9[%dma_wait3A_475, %dma_wait3A_476] : memref<80x128xf32, #tpu.memory_space<vmem>> -> memref<25x128xf32, #tpu.memory_space<vmem>>
    tpu.wait_dma2 semaphore(%arg15 : memref<!tpu.dma_semaphore, #tpu.memory_space<semaphore_mem>>) src(%dma_wait3A_477 : memref<25x128xf32, #tpu.memory_space<vmem>>) dst(%dma_wait3A_474 : memref<25x128xf32, #tpu.memory_space<vmem_shared>>)
    %dma_wait3A_478 = arith.constant 0 : i32
    %dma_wait3A_479 = arith.constant 0 : i32
    %dma_wait3A_480 = tpu.memref_slice %arg9[%dma_wait3A_478, %dma_wait3A_479] : memref<80x128xf32, #tpu.memory_space<vmem>> -> memref<25x128xf32, #tpu.memory_space<vmem>>
    %dma_wait3A_481 = arith.constant 0 : i32
    %dma_wait3A_482 = tpu.memref_slice %arg12[%add3A_170, %dma_wait3A_481] : memref<10000x128xf32, #tpu.memory_space<vmem_shared>> -> memref<25x128xf32, #tpu.memory_space<vmem_shared>>
    %dma_wait3A_483 = arith.constant 0 : i32
    %dma_wait3A_484 = tpu.memref_slice %arg12[%add3A_170, %dma_wait3A_483] : memref<10000x128xf32, #tpu.memory_space<vmem_shared>> -> memref<25x128xf32, #tpu.memory_space<vmem_shared>>
    %dma_wait3A_485 = arith.constant 0 : i32
    %dma_wait3A_486 = arith.constant 0 : i32
    %dma_wait3A_487 = tpu.memref_slice %arg9[%dma_wait3A_485, %dma_wait3A_486] : memref<80x128xf32, #tpu.memory_space<vmem>> -> memref<25x128xf32, #tpu.memory_space<vmem>>
    tpu.wait_dma2 semaphore(%arg15 : memref<!tpu.dma_semaphore, #tpu.memory_space<semaphore_mem>>) src(%dma_wait3A_487 : memref<25x128xf32, #tpu.memory_space<vmem>>) dst(%dma_wait3A_484 : memref<25x128xf32, #tpu.memory_space<vmem_shared>>)
    %dma_wait3A_488 = arith.constant 0 : i32
    %dma_wait3A_489 = arith.constant 0 : i32
    %dma_wait3A_490 = tpu.memref_slice %arg9[%dma_wait3A_488, %dma_wait3A_489] : memref<80x128xf32, #tpu.memory_space<vmem>> -> memref<25x128xf32, #tpu.memory_space<vmem>>
    %dma_wait3A_491 = arith.constant 0 : i32
    %dma_wait3A_492 = tpu.memref_slice %arg12[%add3A_184, %dma_wait3A_491] : memref<10000x128xf32, #tpu.memory_space<vmem_shared>> -> memref<25x128xf32, #tpu.memory_space<vmem_shared>>
    %dma_wait3A_493 = arith.constant 0 : i32
    %dma_wait3A_494 = tpu.memref_slice %arg12[%add3A_184, %dma_wait3A_493] : memref<10000x128xf32, #tpu.memory_space<vmem_shared>> -> memref<25x128xf32, #tpu.memory_space<vmem_shared>>
    %dma_wait3A_495 = arith.constant 0 : i32
    %dma_wait3A_496 = arith.constant 0 : i32
    %dma_wait3A_497 = tpu.memref_slice %arg9[%dma_wait3A_495, %dma_wait3A_496] : memref<80x128xf32, #tpu.memory_space<vmem>> -> memref<25x128xf32, #tpu.memory_space<vmem>>
    tpu.wait_dma2 semaphore(%arg15 : memref<!tpu.dma_semaphore, #tpu.memory_space<semaphore_mem>>) src(%dma_wait3A_497 : memref<25x128xf32, #tpu.memory_space<vmem>>) dst(%dma_wait3A_494 : memref<25x128xf32, #tpu.memory_space<vmem_shared>>)
    %dma_wait3A_498 = arith.constant 0 : i32
    %dma_wait3A_499 = arith.constant 0 : i32
    %dma_wait3A_500 = tpu.memref_slice %arg9[%dma_wait3A_498, %dma_wait3A_499] : memref<80x128xf32, #tpu.memory_space<vmem>> -> memref<25x128xf32, #tpu.memory_space<vmem>>
    %dma_wait3A_501 = arith.constant 0 : i32
    %dma_wait3A_502 = tpu.memref_slice %arg12[%add3A_198, %dma_wait3A_501] : memref<10000x128xf32, #tpu.memory_space<vmem_shared>> -> memref<25x128xf32, #tpu.memory_space<vmem_shared>>
    %dma_wait3A_503 = arith.constant 0 : i32
    %dma_wait3A_504 = tpu.memref_slice %arg12[%add3A_198, %dma_wait3A_503] : memref<10000x128xf32, #tpu.memory_space<vmem_shared>> -> memref<25x128xf32, #tpu.memory_space<vmem_shared>>
    %dma_wait3A_505 = arith.constant 0 : i32
    %dma_wait3A_506 = arith.constant 0 : i32
    %dma_wait3A_507 = tpu.memref_slice %arg9[%dma_wait3A_505, %dma_wait3A_506] : memref<80x128xf32, #tpu.memory_space<vmem>> -> memref<25x128xf32, #tpu.memory_space<vmem>>
    tpu.wait_dma2 semaphore(%arg15 : memref<!tpu.dma_semaphore, #tpu.memory_space<semaphore_mem>>) src(%dma_wait3A_507 : memref<25x128xf32, #tpu.memory_space<vmem>>) dst(%dma_wait3A_504 : memref<25x128xf32, #tpu.memory_space<vmem_shared>>)
    %dma_wait3A_508 = arith.constant 0 : i32
    %dma_wait3A_509 = arith.constant 0 : i32
    %dma_wait3A_510 = tpu.memref_slice %arg9[%dma_wait3A_508, %dma_wait3A_509] : memref<80x128xf32, #tpu.memory_space<vmem>> -> memref<25x128xf32, #tpu.memory_space<vmem>>
    %dma_wait3A_511 = arith.constant 0 : i32
    %dma_wait3A_512 = tpu.memref_slice %arg12[%add3A_212, %dma_wait3A_511] : memref<10000x128xf32, #tpu.memory_space<vmem_shared>> -> memref<25x128xf32, #tpu.memory_space<vmem_shared>>
    %dma_wait3A_513 = arith.constant 0 : i32
    %dma_wait3A_514 = tpu.memref_slice %arg12[%add3A_212, %dma_wait3A_513] : memref<10000x128xf32, #tpu.memory_space<vmem_shared>> -> memref<25x128xf32, #tpu.memory_space<vmem_shared>>
    %dma_wait3A_515 = arith.constant 0 : i32
    %dma_wait3A_516 = arith.constant 0 : i32
    %dma_wait3A_517 = tpu.memref_slice %arg9[%dma_wait3A_515, %dma_wait3A_516] : memref<80x128xf32, #tpu.memory_space<vmem>> -> memref<25x128xf32, #tpu.memory_space<vmem>>
    tpu.wait_dma2 semaphore(%arg15 : memref<!tpu.dma_semaphore, #tpu.memory_space<semaphore_mem>>) src(%dma_wait3A_517 : memref<25x128xf32, #tpu.memory_space<vmem>>) dst(%dma_wait3A_514 : memref<25x128xf32, #tpu.memory_space<vmem_shared>>)
    %dma_wait3A_518 = arith.constant 0 : i32
    %dma_wait3A_519 = arith.constant 0 : i32
    %dma_wait3A_520 = tpu.memref_slice %arg9[%dma_wait3A_518, %dma_wait3A_519] : memref<80x128xf32, #tpu.memory_space<vmem>> -> memref<25x128xf32, #tpu.memory_space<vmem>>
    %dma_wait3A_521 = arith.constant 0 : i32
    %dma_wait3A_522 = tpu.memref_slice %arg12[%add3A_226, %dma_wait3A_521] : memref<10000x128xf32, #tpu.memory_space<vmem_shared>> -> memref<25x128xf32, #tpu.memory_space<vmem_shared>>
    %dma_wait3A_523 = arith.constant 0 : i32
    %dma_wait3A_524 = tpu.memref_slice %arg12[%add3A_226, %dma_wait3A_523] : memref<10000x128xf32, #tpu.memory_space<vmem_shared>> -> memref<25x128xf32, #tpu.memory_space<vmem_shared>>
    %dma_wait3A_525 = arith.constant 0 : i32
    %dma_wait3A_526 = arith.constant 0 : i32
    %dma_wait3A_527 = tpu.memref_slice %arg9[%dma_wait3A_525, %dma_wait3A_526] : memref<80x128xf32, #tpu.memory_space<vmem>> -> memref<25x128xf32, #tpu.memory_space<vmem>>
    tpu.wait_dma2 semaphore(%arg15 : memref<!tpu.dma_semaphore, #tpu.memory_space<semaphore_mem>>) src(%dma_wait3A_527 : memref<25x128xf32, #tpu.memory_space<vmem>>) dst(%dma_wait3A_524 : memref<25x128xf32, #tpu.memory_space<vmem_shared>>)
    %dma_wait3A_528 = arith.constant 0 : i32
    %dma_wait3A_529 = arith.constant 0 : i32
    %dma_wait3A_530 = tpu.memref_slice %arg9[%dma_wait3A_528, %dma_wait3A_529] : memref<80x128xf32, #tpu.memory_space<vmem>> -> memref<25x128xf32, #tpu.memory_space<vmem>>
    %dma_wait3A_531 = arith.constant 0 : i32
    %dma_wait3A_532 = tpu.memref_slice %arg12[%add3A_240, %dma_wait3A_531] : memref<10000x128xf32, #tpu.memory_space<vmem_shared>> -> memref<25x128xf32, #tpu.memory_space<vmem_shared>>
    %dma_wait3A_533 = arith.constant 0 : i32
    %dma_wait3A_534 = tpu.memref_slice %arg12[%add3A_240, %dma_wait3A_533] : memref<10000x128xf32, #tpu.memory_space<vmem_shared>> -> memref<25x128xf32, #tpu.memory_space<vmem_shared>>
    %dma_wait3A_535 = arith.constant 0 : i32
    %dma_wait3A_536 = arith.constant 0 : i32
    %dma_wait3A_537 = tpu.memref_slice %arg9[%dma_wait3A_535, %dma_wait3A_536] : memref<80x128xf32, #tpu.memory_space<vmem>> -> memref<25x128xf32, #tpu.memory_space<vmem>>
    tpu.wait_dma2 semaphore(%arg15 : memref<!tpu.dma_semaphore, #tpu.memory_space<semaphore_mem>>) src(%dma_wait3A_537 : memref<25x128xf32, #tpu.memory_space<vmem>>) dst(%dma_wait3A_534 : memref<25x128xf32, #tpu.memory_space<vmem_shared>>)
    %dma_wait3A_538 = arith.constant 0 : i32
    %dma_wait3A_539 = arith.constant 0 : i32
    %dma_wait3A_540 = tpu.memref_slice %arg9[%dma_wait3A_538, %dma_wait3A_539] : memref<80x128xf32, #tpu.memory_space<vmem>> -> memref<25x128xf32, #tpu.memory_space<vmem>>
    %dma_wait3A_541 = arith.constant 0 : i32
    %dma_wait3A_542 = tpu.memref_slice %arg12[%add3A_254, %dma_wait3A_541] : memref<10000x128xf32, #tpu.memory_space<vmem_shared>> -> memref<25x128xf32, #tpu.memory_space<vmem_shared>>
    %dma_wait3A_543 = arith.constant 0 : i32
    %dma_wait3A_544 = tpu.memref_slice %arg12[%add3A_254, %dma_wait3A_543] : memref<10000x128xf32, #tpu.memory_space<vmem_shared>> -> memref<25x128xf32, #tpu.memory_space<vmem_shared>>
    %dma_wait3A_545 = arith.constant 0 : i32
    %dma_wait3A_546 = arith.constant 0 : i32
    %dma_wait3A_547 = tpu.memref_slice %arg9[%dma_wait3A_545, %dma_wait3A_546] : memref<80x128xf32, #tpu.memory_space<vmem>> -> memref<25x128xf32, #tpu.memory_space<vmem>>
    tpu.wait_dma2 semaphore(%arg15 : memref<!tpu.dma_semaphore, #tpu.memory_space<semaphore_mem>>) src(%dma_wait3A_547 : memref<25x128xf32, #tpu.memory_space<vmem>>) dst(%dma_wait3A_544 : memref<25x128xf32, #tpu.memory_space<vmem_shared>>)
    %dma_wait3A_548 = arith.constant 0 : i32
    %dma_wait3A_549 = arith.constant 0 : i32
    %dma_wait3A_550 = tpu.memref_slice %arg9[%dma_wait3A_548, %dma_wait3A_549] : memref<80x128xf32, #tpu.memory_space<vmem>> -> memref<25x128xf32, #tpu.memory_space<vmem>>
    %dma_wait3A_551 = arith.constant 0 : i32
    %dma_wait3A_552 = tpu.memref_slice %arg12[%add3A_268, %dma_wait3A_551] : memref<10000x128xf32, #tpu.memory_space<vmem_shared>> -> memref<25x128xf32, #tpu.memory_space<vmem_shared>>
    %dma_wait3A_553 = arith.constant 0 : i32
    %dma_wait3A_554 = tpu.memref_slice %arg12[%add3A_268, %dma_wait3A_553] : memref<10000x128xf32, #tpu.memory_space<vmem_shared>> -> memref<25x128xf32, #tpu.memory_space<vmem_shared>>
    %dma_wait3A_555 = arith.constant 0 : i32
    %dma_wait3A_556 = arith.constant 0 : i32
    %dma_wait3A_557 = tpu.memref_slice %arg9[%dma_wait3A_555, %dma_wait3A_556] : memref<80x128xf32, #tpu.memory_space<vmem>> -> memref<25x128xf32, #tpu.memory_space<vmem>>
    tpu.wait_dma2 semaphore(%arg15 : memref<!tpu.dma_semaphore, #tpu.memory_space<semaphore_mem>>) src(%dma_wait3A_557 : memref<25x128xf32, #tpu.memory_space<vmem>>) dst(%dma_wait3A_554 : memref<25x128xf32, #tpu.memory_space<vmem_shared>>)
    %dma_wait3A_558 = arith.constant 0 : i32
    %dma_wait3A_559 = arith.constant 0 : i32
    %dma_wait3A_560 = tpu.memref_slice %arg9[%dma_wait3A_558, %dma_wait3A_559] : memref<80x128xf32, #tpu.memory_space<vmem>> -> memref<25x128xf32, #tpu.memory_space<vmem>>
    %dma_wait3A_561 = arith.constant 0 : i32
    %dma_wait3A_562 = tpu.memref_slice %arg12[%add3A_282, %dma_wait3A_561] : memref<10000x128xf32, #tpu.memory_space<vmem_shared>> -> memref<25x128xf32, #tpu.memory_space<vmem_shared>>
    %dma_wait3A_563 = arith.constant 0 : i32
    %dma_wait3A_564 = tpu.memref_slice %arg12[%add3A_282, %dma_wait3A_563] : memref<10000x128xf32, #tpu.memory_space<vmem_shared>> -> memref<25x128xf32, #tpu.memory_space<vmem_shared>>
    %dma_wait3A_565 = arith.constant 0 : i32
    %dma_wait3A_566 = arith.constant 0 : i32
    %dma_wait3A_567 = tpu.memref_slice %arg9[%dma_wait3A_565, %dma_wait3A_566] : memref<80x128xf32, #tpu.memory_space<vmem>> -> memref<25x128xf32, #tpu.memory_space<vmem>>
    tpu.wait_dma2 semaphore(%arg15 : memref<!tpu.dma_semaphore, #tpu.memory_space<semaphore_mem>>) src(%dma_wait3A_567 : memref<25x128xf32, #tpu.memory_space<vmem>>) dst(%dma_wait3A_564 : memref<25x128xf32, #tpu.memory_space<vmem_shared>>)
    %dma_wait3A_568 = arith.constant 0 : i32
    %dma_wait3A_569 = arith.constant 0 : i32
    %dma_wait3A_570 = tpu.memref_slice %arg9[%dma_wait3A_568, %dma_wait3A_569] : memref<80x128xf32, #tpu.memory_space<vmem>> -> memref<25x128xf32, #tpu.memory_space<vmem>>
    %dma_wait3A_571 = arith.constant 0 : i32
    %dma_wait3A_572 = tpu.memref_slice %arg12[%add3A_296, %dma_wait3A_571] : memref<10000x128xf32, #tpu.memory_space<vmem_shared>> -> memref<25x128xf32, #tpu.memory_space<vmem_shared>>
    %dma_wait3A_573 = arith.constant 0 : i32
    %dma_wait3A_574 = tpu.memref_slice %arg12[%add3A_296, %dma_wait3A_573] : memref<10000x128xf32, #tpu.memory_space<vmem_shared>> -> memref<25x128xf32, #tpu.memory_space<vmem_shared>>
    %dma_wait3A_575 = arith.constant 0 : i32
    %dma_wait3A_576 = arith.constant 0 : i32
    %dma_wait3A_577 = tpu.memref_slice %arg9[%dma_wait3A_575, %dma_wait3A_576] : memref<80x128xf32, #tpu.memory_space<vmem>> -> memref<25x128xf32, #tpu.memory_space<vmem>>
    tpu.wait_dma2 semaphore(%arg15 : memref<!tpu.dma_semaphore, #tpu.memory_space<semaphore_mem>>) src(%dma_wait3A_577 : memref<25x128xf32, #tpu.memory_space<vmem>>) dst(%dma_wait3A_574 : memref<25x128xf32, #tpu.memory_space<vmem_shared>>)
    %dma_wait3A_578 = arith.constant 0 : i32
    %dma_wait3A_579 = arith.constant 0 : i32
    %dma_wait3A_580 = tpu.memref_slice %arg9[%dma_wait3A_578, %dma_wait3A_579] : memref<80x128xf32, #tpu.memory_space<vmem>> -> memref<25x128xf32, #tpu.memory_space<vmem>>
    %dma_wait3A_581 = arith.constant 0 : i32
    %dma_wait3A_582 = tpu.memref_slice %arg12[%add3A_310, %dma_wait3A_581] : memref<10000x128xf32, #tpu.memory_space<vmem_shared>> -> memref<25x128xf32, #tpu.memory_space<vmem_shared>>
    %dma_wait3A_583 = arith.constant 0 : i32
    %dma_wait3A_584 = tpu.memref_slice %arg12[%add3A_310, %dma_wait3A_583] : memref<10000x128xf32, #tpu.memory_space<vmem_shared>> -> memref<25x128xf32, #tpu.memory_space<vmem_shared>>
    %dma_wait3A_585 = arith.constant 0 : i32
    %dma_wait3A_586 = arith.constant 0 : i32
    %dma_wait3A_587 = tpu.memref_slice %arg9[%dma_wait3A_585, %dma_wait3A_586] : memref<80x128xf32, #tpu.memory_space<vmem>> -> memref<25x128xf32, #tpu.memory_space<vmem>>
    tpu.wait_dma2 semaphore(%arg15 : memref<!tpu.dma_semaphore, #tpu.memory_space<semaphore_mem>>) src(%dma_wait3A_587 : memref<25x128xf32, #tpu.memory_space<vmem>>) dst(%dma_wait3A_584 : memref<25x128xf32, #tpu.memory_space<vmem_shared>>)
    %dma_wait3A_588 = arith.constant 0 : i32
    %dma_wait3A_589 = arith.constant 0 : i32
    %dma_wait3A_590 = tpu.memref_slice %arg9[%dma_wait3A_588, %dma_wait3A_589] : memref<80x128xf32, #tpu.memory_space<vmem>> -> memref<25x128xf32, #tpu.memory_space<vmem>>
    %dma_wait3A_591 = arith.constant 0 : i32
    %dma_wait3A_592 = tpu.memref_slice %arg12[%add3A_324, %dma_wait3A_591] : memref<10000x128xf32, #tpu.memory_space<vmem_shared>> -> memref<25x128xf32, #tpu.memory_space<vmem_shared>>
    %dma_wait3A_593 = arith.constant 0 : i32
    %dma_wait3A_594 = tpu.memref_slice %arg12[%add3A_324, %dma_wait3A_593] : memref<10000x128xf32, #tpu.memory_space<vmem_shared>> -> memref<25x128xf32, #tpu.memory_space<vmem_shared>>
    %dma_wait3A_595 = arith.constant 0 : i32
    %dma_wait3A_596 = arith.constant 0 : i32
    %dma_wait3A_597 = tpu.memref_slice %arg9[%dma_wait3A_595, %dma_wait3A_596] : memref<80x128xf32, #tpu.memory_space<vmem>> -> memref<25x128xf32, #tpu.memory_space<vmem>>
    tpu.wait_dma2 semaphore(%arg15 : memref<!tpu.dma_semaphore, #tpu.memory_space<semaphore_mem>>) src(%dma_wait3A_597 : memref<25x128xf32, #tpu.memory_space<vmem>>) dst(%dma_wait3A_594 : memref<25x128xf32, #tpu.memory_space<vmem_shared>>)
    %dma_wait3A_598 = arith.constant 0 : i32
    %dma_wait3A_599 = arith.constant 0 : i32
    %dma_wait3A_600 = tpu.memref_slice %arg9[%dma_wait3A_598, %dma_wait3A_599] : memref<80x128xf32, #tpu.memory_space<vmem>> -> memref<25x128xf32, #tpu.memory_space<vmem>>
    %dma_wait3A_601 = arith.constant 0 : i32
    %dma_wait3A_602 = tpu.memref_slice %arg12[%add3A_338, %dma_wait3A_601] : memref<10000x128xf32, #tpu.memory_space<vmem_shared>> -> memref<25x128xf32, #tpu.memory_space<vmem_shared>>
    %dma_wait3A_603 = arith.constant 0 : i32
    %dma_wait3A_604 = tpu.memref_slice %arg12[%add3A_338, %dma_wait3A_603] : memref<10000x128xf32, #tpu.memory_space<vmem_shared>> -> memref<25x128xf32, #tpu.memory_space<vmem_shared>>
    %dma_wait3A_605 = arith.constant 0 : i32
    %dma_wait3A_606 = arith.constant 0 : i32
    %dma_wait3A_607 = tpu.memref_slice %arg9[%dma_wait3A_605, %dma_wait3A_606] : memref<80x128xf32, #tpu.memory_space<vmem>> -> memref<25x128xf32, #tpu.memory_space<vmem>>
    tpu.wait_dma2 semaphore(%arg15 : memref<!tpu.dma_semaphore, #tpu.memory_space<semaphore_mem>>) src(%dma_wait3A_607 : memref<25x128xf32, #tpu.memory_space<vmem>>) dst(%dma_wait3A_604 : memref<25x128xf32, #tpu.memory_space<vmem_shared>>)
    %dma_wait3A_608 = arith.constant 0 : i32
    %dma_wait3A_609 = arith.constant 0 : i32
    %dma_wait3A_610 = tpu.memref_slice %arg9[%dma_wait3A_608, %dma_wait3A_609] : memref<80x128xf32, #tpu.memory_space<vmem>> -> memref<25x128xf32, #tpu.memory_space<vmem>>
    %dma_wait3A_611 = arith.constant 0 : i32
    %dma_wait3A_612 = tpu.memref_slice %arg12[%add3A_352, %dma_wait3A_611] : memref<10000x128xf32, #tpu.memory_space<vmem_shared>> -> memref<25x128xf32, #tpu.memory_space<vmem_shared>>
    %dma_wait3A_613 = arith.constant 0 : i32
    %dma_wait3A_614 = tpu.memref_slice %arg12[%add3A_352, %dma_wait3A_613] : memref<10000x128xf32, #tpu.memory_space<vmem_shared>> -> memref<25x128xf32, #tpu.memory_space<vmem_shared>>
    %dma_wait3A_615 = arith.constant 0 : i32
    %dma_wait3A_616 = arith.constant 0 : i32
    %dma_wait3A_617 = tpu.memref_slice %arg9[%dma_wait3A_615, %dma_wait3A_616] : memref<80x128xf32, #tpu.memory_space<vmem>> -> memref<25x128xf32, #tpu.memory_space<vmem>>
    tpu.wait_dma2 semaphore(%arg15 : memref<!tpu.dma_semaphore, #tpu.memory_space<semaphore_mem>>) src(%dma_wait3A_617 : memref<25x128xf32, #tpu.memory_space<vmem>>) dst(%dma_wait3A_614 : memref<25x128xf32, #tpu.memory_space<vmem_shared>>)
    %dma_wait3A_618 = tpu.memref_slice %arg3[%mul3A_2] : memref<320000xi32, #tpu.memory_space<hbm>> -> memref<10000xi32, #tpu.memory_space<hbm>>
    %dma_wait3A_619 = tpu.memref_slice %arg3[%mul3A_2] : memref<320000xi32, #tpu.memory_space<hbm>> -> memref<10000xi32, #tpu.memory_space<hbm>>
    tpu.wait_dma2 semaphore(%arg17 : memref<!tpu.dma_semaphore, #tpu.memory_space<semaphore_mem>>) src(%dma_wait3A_619 : memref<10000xi32, #tpu.memory_space<hbm>>) dst(%arg7 : memref<10000xi32, #tpu.memory_space<vmem>>)
    %dma_wait3A_620 = tpu.memref_slice %arg4[%mul3A_5] : memref<320000xi32, #tpu.memory_space<hbm>> -> memref<10000xi32, #tpu.memory_space<hbm>>
    %dma_wait3A_621 = tpu.memref_slice %arg4[%mul3A_5] : memref<320000xi32, #tpu.memory_space<hbm>> -> memref<10000xi32, #tpu.memory_space<hbm>>
    tpu.wait_dma2 semaphore(%arg17 : memref<!tpu.dma_semaphore, #tpu.memory_space<semaphore_mem>>) src(%dma_wait3A_621 : memref<10000xi32, #tpu.memory_space<hbm>>) dst(%arg8 : memref<10000xi32, #tpu.memory_space<vmem>>)
    %barrier3A = arith.constant 0 : index
    tpu.barrier barrier_id(%barrier3A)
    %broadcast_in_dim3A = arith.constant 1.000000e+00 : f32
    %broadcast_in_dim3A_622 = vector.broadcast %broadcast_in_dim3A : f32 to vector<16xf32>
    %dma_start3A_623 = arith.constant 0 : i32
    %dma_start3A_624 = tpu.memref_slice %arg7[%dma_start3A_623] : memref<10000xi32, #tpu.memory_space<vmem>> -> memref<80xi32, #tpu.memory_space<vmem>>
    %dma_start3A_625 = arith.constant 0 : i32
    %dma_start3A_626 = arith.constant 0 : i32
    %dma_start3A_627 = tpu.memref_slice %arg2[%dma_start3A_625, %dma_start3A_626] : memref<320000x128xf32, #tpu.memory_space<hbm>> -> memref<320000x128xf32, #tpu.memory_space<hbm>>
    tpu.enqueue_indirect_dma source(%dma_start3A_627 : memref<320000x128xf32, #tpu.memory_space<hbm>>) target(%arg9 : memref<80x128xf32, #tpu.memory_space<vmem>>) offsets(%dma_start3A_624 : memref<80xi32, #tpu.memory_space<vmem>>) semaphore(%arg13 : memref<!tpu.dma_semaphore, #tpu.memory_space<semaphore_mem>>)
    %dma_start3A_628 = arith.constant 80 : i32
    %dma_start3A_629 = tpu.memref_slice %arg7[%dma_start3A_628] : memref<10000xi32, #tpu.memory_space<vmem>> -> memref<80xi32, #tpu.memory_space<vmem>>
    %dma_start3A_630 = arith.constant 0 : i32
    %dma_start3A_631 = arith.constant 0 : i32
    %dma_start3A_632 = tpu.memref_slice %arg2[%dma_start3A_630, %dma_start3A_631] : memref<320000x128xf32, #tpu.memory_space<hbm>> -> memref<320000x128xf32, #tpu.memory_space<hbm>>
    tpu.enqueue_indirect_dma source(%dma_start3A_632 : memref<320000x128xf32, #tpu.memory_space<hbm>>) target(%arg10 : memref<80x128xf32, #tpu.memory_space<vmem>>) offsets(%dma_start3A_629 : memref<80xi32, #tpu.memory_space<vmem>>) semaphore(%arg14 : memref<!tpu.dma_semaphore, #tpu.memory_space<semaphore_mem>>)
    %scan3A_633 = arith.constant 0 : i32
    %scan3A_634 = arith.constant 0 : i32
    %scan3A_635 = arith.constant 62 : i32
    %scan3A_636 = arith.addi %scan3A_634, %scan3A_635 : i32
    %scan3A_637 = arith.constant 1 : i32
    scf.for %scan3A_722 = %scan3A_634 to %scan3A_636 step %scan3A_637  : i32 {
      %mul3A_723 = arith.constant 2 : i32
      %mul3A_724 = arith.muli %mul3A_723, %scan3A_722 : i32
      %mul3A_725 = arith.constant 80 : i32
      %mul3A_726 = arith.muli %mul3A_724, %mul3A_725 : i32
      %dma_wait3A_727 = tpu.memref_slice %arg7[%mul3A_726] : memref<10000xi32, #tpu.memory_space<vmem>> -> memref<80xi32, #tpu.memory_space<vmem>>
      %dma_wait3A_728 = arith.constant 0 : i32
      %dma_wait3A_729 = arith.constant 0 : i32
      %dma_wait3A_730 = tpu.memref_slice %arg2[%dma_wait3A_728, %dma_wait3A_729] : memref<320000x128xf32, #tpu.memory_space<hbm>> -> memref<320000x128xf32, #tpu.memory_space<hbm>>
      tpu.wait_indirect_dma semaphore(%arg13 : memref<!tpu.dma_semaphore, #tpu.memory_space<semaphore_mem>>) src(%dma_wait3A_730 : memref<320000x128xf32, #tpu.memory_space<hbm>>) dst(%arg9 : memref<80x128xf32, #tpu.memory_space<vmem>>)
      %mul3A_731 = arith.constant 80 : i32
      %mul3A_732 = arith.muli %mul3A_724, %mul3A_731 : i32
      %add3A_733 = arith.constant 0 : i32
      %add3A_734 = arith.addi %mul3A_732, %add3A_733 : i32
      %get3A_735 = arith.index_cast %add3A_734 : i32 to index
      %get3A_736 = tpu.vector_load %arg8[%get3A_735] {strides = array<i32>} : memref<10000xi32, #tpu.memory_space<vmem>>, vector<16xi32>,
      tpu.vector_store_idx %arg11[%get3A_736], %broadcast_in_dim3A_622 {add = true} : memref<10000xf32, #tpu.memory_space<vmem>>[vector<16xi32>], vector<16xf32>,
      %dma_start3A_737 = arith.constant 0 : i32
      %dma_start3A_738 = arith.constant 0 : i32
      %dma_start3A_739 = tpu.memref_slice %arg9[%dma_start3A_737, %dma_start3A_738] : memref<80x128xf32, #tpu.memory_space<vmem>> -> memref<16x128xf32, #tpu.memory_space<vmem>>
      %dma_start3A_740 = arith.constant 0 : i32
      %dma_start3A_741 = arith.constant 0 : i32
      %dma_start3A_742 = tpu.memref_slice %arg12[%dma_start3A_740, %dma_start3A_741] : memref<10000x128xf32, #tpu.memory_space<vmem_shared>> -> memref<10000x128xf32, #tpu.memory_space<vmem_shared>>
      tpu.enqueue_indirect_dma source(%dma_start3A_739 : memref<16x128xf32, #tpu.memory_space<vmem>>) target(%dma_start3A_742 : memref<10000x128xf32, #tpu.memory_space<vmem_shared>>) offsets(%get3A_736 : vector<16xi32>) semaphore(%arg15 : memref<!tpu.dma_semaphore, #tpu.memory_space<semaphore_mem>>) {add = true}
      %mul3A_743 = arith.constant 80 : i32
      %mul3A_744 = arith.muli %mul3A_724, %mul3A_743 : i32
      %add3A_745 = arith.constant 16 : i32
      %add3A_746 = arith.addi %mul3A_744, %add3A_745 : i32
      %get3A_747 = arith.index_cast %add3A_746 : i32 to index
      %get3A_748 = tpu.vector_load %arg8[%get3A_747] {strides = array<i32>} : memref<10000xi32, #tpu.memory_space<vmem>>, vector<16xi32>,
      tpu.vector_store_idx %arg11[%get3A_748], %broadcast_in_dim3A_622 {add = true} : memref<10000xf32, #tpu.memory_space<vmem>>[vector<16xi32>], vector<16xf32>,
      %dma_start3A_749 = arith.constant 16 : i32
      %dma_start3A_750 = arith.constant 0 : i32
      %dma_start3A_751 = tpu.memref_slice %arg9[%dma_start3A_749, %dma_start3A_750] : memref<80x128xf32, #tpu.memory_space<vmem>> -> memref<16x128xf32, #tpu.memory_space<vmem>>
      %dma_start3A_752 = arith.constant 0 : i32
      %dma_start3A_753 = arith.constant 0 : i32
      %dma_start3A_754 = tpu.memref_slice %arg12[%dma_start3A_752, %dma_start3A_753] : memref<10000x128xf32, #tpu.memory_space<vmem_shared>> -> memref<10000x128xf32, #tpu.memory_space<vmem_shared>>
      tpu.enqueue_indirect_dma source(%dma_start3A_751 : memref<16x128xf32, #tpu.memory_space<vmem>>) target(%dma_start3A_754 : memref<10000x128xf32, #tpu.memory_space<vmem_shared>>) offsets(%get3A_748 : vector<16xi32>) semaphore(%arg15 : memref<!tpu.dma_semaphore, #tpu.memory_space<semaphore_mem>>) {add = true}
      %mul3A_755 = arith.constant 80 : i32
      %mul3A_756 = arith.muli %mul3A_724, %mul3A_755 : i32
      %add3A_757 = arith.constant 32 : i32
      %add3A_758 = arith.addi %mul3A_756, %add3A_757 : i32
      %get3A_759 = arith.index_cast %add3A_758 : i32 to index
      %get3A_760 = tpu.vector_load %arg8[%get3A_759] {strides = array<i32>} : memref<10000xi32, #tpu.memory_space<vmem>>, vector<16xi32>,
      tpu.vector_store_idx %arg11[%get3A_760], %broadcast_in_dim3A_622 {add = true} : memref<10000xf32, #tpu.memory_space<vmem>>[vector<16xi32>], vector<16xf32>,
      %dma_start3A_761 = arith.constant 32 : i32
      %dma_start3A_762 = arith.constant 0 : i32
      %dma_start3A_763 = tpu.memref_slice %arg9[%dma_start3A_761, %dma_start3A_762] : memref<80x128xf32, #tpu.memory_space<vmem>> -> memref<16x128xf32, #tpu.memory_space<vmem>>
      %dma_start3A_764 = arith.constant 0 : i32
      %dma_start3A_765 = arith.constant 0 : i32
      %dma_start3A_766 = tpu.memref_slice %arg12[%dma_start3A_764, %dma_start3A_765] : memref<10000x128xf32, #tpu.memory_space<vmem_shared>> -> memref<10000x128xf32, #tpu.memory_space<vmem_shared>>
      tpu.enqueue_indirect_dma source(%dma_start3A_763 : memref<16x128xf32, #tpu.memory_space<vmem>>) target(%dma_start3A_766 : memref<10000x128xf32, #tpu.memory_space<vmem_shared>>) offsets(%get3A_760 : vector<16xi32>) semaphore(%arg15 : memref<!tpu.dma_semaphore, #tpu.memory_space<semaphore_mem>>) {add = true}
      %mul3A_767 = arith.constant 80 : i32
      %mul3A_768 = arith.muli %mul3A_724, %mul3A_767 : i32
      %add3A_769 = arith.constant 48 : i32
      %add3A_770 = arith.addi %mul3A_768, %add3A_769 : i32
      %get3A_771 = arith.index_cast %add3A_770 : i32 to index
      %get3A_772 = tpu.vector_load %arg8[%get3A_771] {strides = array<i32>} : memref<10000xi32, #tpu.memory_space<vmem>>, vector<16xi32>,
      tpu.vector_store_idx %arg11[%get3A_772], %broadcast_in_dim3A_622 {add = true} : memref<10000xf32, #tpu.memory_space<vmem>>[vector<16xi32>], vector<16xf32>,
      %dma_start3A_773 = arith.constant 48 : i32
      %dma_start3A_774 = arith.constant 0 : i32
      %dma_start3A_775 = tpu.memref_slice %arg9[%dma_start3A_773, %dma_start3A_774] : memref<80x128xf32, #tpu.memory_space<vmem>> -> memref<16x128xf32, #tpu.memory_space<vmem>>
      %dma_start3A_776 = arith.constant 0 : i32
      %dma_start3A_777 = arith.constant 0 : i32
      %dma_start3A_778 = tpu.memref_slice %arg12[%dma_start3A_776, %dma_start3A_777] : memref<10000x128xf32, #tpu.memory_space<vmem_shared>> -> memref<10000x128xf32, #tpu.memory_space<vmem_shared>>
      tpu.enqueue_indirect_dma source(%dma_start3A_775 : memref<16x128xf32, #tpu.memory_space<vmem>>) target(%dma_start3A_778 : memref<10000x128xf32, #tpu.memory_space<vmem_shared>>) offsets(%get3A_772 : vector<16xi32>) semaphore(%arg15 : memref<!tpu.dma_semaphore, #tpu.memory_space<semaphore_mem>>) {add = true}
      %mul3A_779 = arith.constant 80 : i32
      %mul3A_780 = arith.muli %mul3A_724, %mul3A_779 : i32
      %add3A_781 = arith.constant 64 : i32
      %add3A_782 = arith.addi %mul3A_780, %add3A_781 : i32
      %get3A_783 = arith.index_cast %add3A_782 : i32 to index
      %get3A_784 = tpu.vector_load %arg8[%get3A_783] {strides = array<i32>} : memref<10000xi32, #tpu.memory_space<vmem>>, vector<16xi32>,
      tpu.vector_store_idx %arg11[%get3A_784], %broadcast_in_dim3A_622 {add = true} : memref<10000xf32, #tpu.memory_space<vmem>>[vector<16xi32>], vector<16xf32>,
      %dma_start3A_785 = arith.constant 64 : i32
      %dma_start3A_786 = arith.constant 0 : i32
      %dma_start3A_787 = tpu.memref_slice %arg9[%dma_start3A_785, %dma_start3A_786] : memref<80x128xf32, #tpu.memory_space<vmem>> -> memref<16x128xf32, #tpu.memory_space<vmem>>
      %dma_start3A_788 = arith.constant 0 : i32
      %dma_start3A_789 = arith.constant 0 : i32
      %dma_start3A_790 = tpu.memref_slice %arg12[%dma_start3A_788, %dma_start3A_789] : memref<10000x128xf32, #tpu.memory_space<vmem_shared>> -> memref<10000x128xf32, #tpu.memory_space<vmem_shared>>
      tpu.enqueue_indirect_dma source(%dma_start3A_787 : memref<16x128xf32, #tpu.memory_space<vmem>>) target(%dma_start3A_790 : memref<10000x128xf32, #tpu.memory_space<vmem_shared>>) offsets(%get3A_784 : vector<16xi32>) semaphore(%arg15 : memref<!tpu.dma_semaphore, #tpu.memory_space<semaphore_mem>>) {add = true}
      %dma_wait3A_791 = arith.constant 0 : i32
      %dma_wait3A_792 = arith.constant 0 : i32
      %dma_wait3A_793 = tpu.memref_slice %arg9[%dma_wait3A_791, %dma_wait3A_792] : memref<80x128xf32, #tpu.memory_space<vmem>> -> memref<16x128xf32, #tpu.memory_space<vmem>>
      %dma_wait3A_794 = arith.constant 0 : i32
      %dma_wait3A_795 = arith.constant 0 : i32
      %dma_wait3A_796 = tpu.memref_slice %arg12[%dma_wait3A_794, %dma_wait3A_795] : memref<10000x128xf32, #tpu.memory_space<vmem_shared>> -> memref<10000x128xf32, #tpu.memory_space<vmem_shared>>
      tpu.wait_indirect_dma semaphore(%arg15 : memref<!tpu.dma_semaphore, #tpu.memory_space<semaphore_mem>>) src(%dma_wait3A_793 : memref<16x128xf32, #tpu.memory_space<vmem>>) dst(%dma_wait3A_796 : memref<10000x128xf32, #tpu.memory_space<vmem_shared>>)
      %dma_wait3A_797 = arith.constant 16 : i32
      %dma_wait3A_798 = arith.constant 0 : i32
      %dma_wait3A_799 = tpu.memref_slice %arg9[%dma_wait3A_797, %dma_wait3A_798] : memref<80x128xf32, #tpu.memory_space<vmem>> -> memref<16x128xf32, #tpu.memory_space<vmem>>
      %dma_wait3A_800 = arith.constant 0 : i32
      %dma_wait3A_801 = arith.constant 0 : i32
      %dma_wait3A_802 = tpu.memref_slice %arg12[%dma_wait3A_800, %dma_wait3A_801] : memref<10000x128xf32, #tpu.memory_space<vmem_shared>> -> memref<10000x128xf32, #tpu.memory_space<vmem_shared>>
      tpu.wait_indirect_dma semaphore(%arg15 : memref<!tpu.dma_semaphore, #tpu.memory_space<semaphore_mem>>) src(%dma_wait3A_799 : memref<16x128xf32, #tpu.memory_space<vmem>>) dst(%dma_wait3A_802 : memref<10000x128xf32, #tpu.memory_space<vmem_shared>>)
      %dma_wait3A_803 = arith.constant 32 : i32
      %dma_wait3A_804 = arith.constant 0 : i32
      %dma_wait3A_805 = tpu.memref_slice %arg9[%dma_wait3A_803, %dma_wait3A_804] : memref<80x128xf32, #tpu.memory_space<vmem>> -> memref<16x128xf32, #tpu.memory_space<vmem>>
      %dma_wait3A_806 = arith.constant 0 : i32
      %dma_wait3A_807 = arith.constant 0 : i32
      %dma_wait3A_808 = tpu.memref_slice %arg12[%dma_wait3A_806, %dma_wait3A_807] : memref<10000x128xf32, #tpu.memory_space<vmem_shared>> -> memref<10000x128xf32, #tpu.memory_space<vmem_shared>>
      tpu.wait_indirect_dma semaphore(%arg15 : memref<!tpu.dma_semaphore, #tpu.memory_space<semaphore_mem>>) src(%dma_wait3A_805 : memref<16x128xf32, #tpu.memory_space<vmem>>) dst(%dma_wait3A_808 : memref<10000x128xf32, #tpu.memory_space<vmem_shared>>)
      %dma_wait3A_809 = arith.constant 48 : i32
      %dma_wait3A_810 = arith.constant 0 : i32
      %dma_wait3A_811 = tpu.memref_slice %arg9[%dma_wait3A_809, %dma_wait3A_810] : memref<80x128xf32, #tpu.memory_space<vmem>> -> memref<16x128xf32, #tpu.memory_space<vmem>>
      %dma_wait3A_812 = arith.constant 0 : i32
      %dma_wait3A_813 = arith.constant 0 : i32
      %dma_wait3A_814 = tpu.memref_slice %arg12[%dma_wait3A_812, %dma_wait3A_813] : memref<10000x128xf32, #tpu.memory_space<vmem_shared>> -> memref<10000x128xf32, #tpu.memory_space<vmem_shared>>
      tpu.wait_indirect_dma semaphore(%arg15 : memref<!tpu.dma_semaphore, #tpu.memory_space<semaphore_mem>>) src(%dma_wait3A_811 : memref<16x128xf32, #tpu.memory_space<vmem>>) dst(%dma_wait3A_814 : memref<10000x128xf32, #tpu.memory_space<vmem_shared>>)
      %dma_wait3A_815 = arith.constant 64 : i32
      %dma_wait3A_816 = arith.constant 0 : i32
      %dma_wait3A_817 = tpu.memref_slice %arg9[%dma_wait3A_815, %dma_wait3A_816] : memref<80x128xf32, #tpu.memory_space<vmem>> -> memref<16x128xf32, #tpu.memory_space<vmem>>
      %dma_wait3A_818 = arith.constant 0 : i32
      %dma_wait3A_819 = arith.constant 0 : i32
      %dma_wait3A_820 = tpu.memref_slice %arg12[%dma_wait3A_818, %dma_wait3A_819] : memref<10000x128xf32, #tpu.memory_space<vmem_shared>> -> memref<10000x128xf32, #tpu.memory_space<vmem_shared>>
      tpu.wait_indirect_dma semaphore(%arg15 : memref<!tpu.dma_semaphore, #tpu.memory_space<semaphore_mem>>) src(%dma_wait3A_817 : memref<16x128xf32, #tpu.memory_space<vmem>>) dst(%dma_wait3A_820 : memref<10000x128xf32, #tpu.memory_space<vmem_shared>>)
      %add3A_821 = arith.constant 2 : i32
      %add3A_822 = arith.addi %mul3A_724, %add3A_821 : i32
      %mul3A_823 = arith.constant 80 : i32
      %mul3A_824 = arith.muli %add3A_822, %mul3A_823 : i32
      %dma_start3A_825 = tpu.memref_slice %arg7[%mul3A_824] : memref<10000xi32, #tpu.memory_space<vmem>> -> memref<80xi32, #tpu.memory_space<vmem>>
      %dma_start3A_826 = arith.constant 0 : i32
      %dma_start3A_827 = arith.constant 0 : i32
      %dma_start3A_828 = tpu.memref_slice %arg2[%dma_start3A_826, %dma_start3A_827] : memref<320000x128xf32, #tpu.memory_space<hbm>> -> memref<320000x128xf32, #tpu.memory_space<hbm>>
      tpu.enqueue_indirect_dma source(%dma_start3A_828 : memref<320000x128xf32, #tpu.memory_space<hbm>>) target(%arg9 : memref<80x128xf32, #tpu.memory_space<vmem>>) offsets(%dma_start3A_825 : memref<80xi32, #tpu.memory_space<vmem>>) semaphore(%arg13 : memref<!tpu.dma_semaphore, #tpu.memory_space<semaphore_mem>>)
      %add3A_829 = arith.constant 1 : i32
      %add3A_830 = arith.addi %mul3A_724, %add3A_829 : i32
      %mul3A_831 = arith.constant 80 : i32
      %mul3A_832 = arith.muli %add3A_830, %mul3A_831 : i32
      %dma_wait3A_833 = tpu.memref_slice %arg7[%mul3A_832] : memref<10000xi32, #tpu.memory_space<vmem>> -> memref<80xi32, #tpu.memory_space<vmem>>
      %dma_wait3A_834 = arith.constant 0 : i32
      %dma_wait3A_835 = arith.constant 0 : i32
      %dma_wait3A_836 = tpu.memref_slice %arg2[%dma_wait3A_834, %dma_wait3A_835] : memref<320000x128xf32, #tpu.memory_space<hbm>> -> memref<320000x128xf32, #tpu.memory_space<hbm>>
      tpu.wait_indirect_dma semaphore(%arg14 : memref<!tpu.dma_semaphore, #tpu.memory_space<semaphore_mem>>) src(%dma_wait3A_836 : memref<320000x128xf32, #tpu.memory_space<hbm>>) dst(%arg10 : memref<80x128xf32, #tpu.memory_space<vmem>>)
      %mul3A_837 = arith.constant 80 : i32
      %mul3A_838 = arith.muli %add3A_830, %mul3A_837 : i32
      %add3A_839 = arith.constant 0 : i32
      %add3A_840 = arith.addi %mul3A_838, %add3A_839 : i32
      %get3A_841 = arith.index_cast %add3A_840 : i32 to index
      %get3A_842 = tpu.vector_load %arg8[%get3A_841] {strides = array<i32>} : memref<10000xi32, #tpu.memory_space<vmem>>, vector<16xi32>,
      tpu.vector_store_idx %arg11[%get3A_842], %broadcast_in_dim3A_622 {add = true} : memref<10000xf32, #tpu.memory_space<vmem>>[vector<16xi32>], vector<16xf32>,
      %dma_start3A_843 = arith.constant 0 : i32
      %dma_start3A_844 = arith.constant 0 : i32
      %dma_start3A_845 = tpu.memref_slice %arg10[%dma_start3A_843, %dma_start3A_844] : memref<80x128xf32, #tpu.memory_space<vmem>> -> memref<16x128xf32, #tpu.memory_space<vmem>>
      %dma_start3A_846 = arith.constant 0 : i32
      %dma_start3A_847 = arith.constant 0 : i32
      %dma_start3A_848 = tpu.memref_slice %arg12[%dma_start3A_846, %dma_start3A_847] : memref<10000x128xf32, #tpu.memory_space<vmem_shared>> -> memref<10000x128xf32, #tpu.memory_space<vmem_shared>>
      tpu.enqueue_indirect_dma source(%dma_start3A_845 : memref<16x128xf32, #tpu.memory_space<vmem>>) target(%dma_start3A_848 : memref<10000x128xf32, #tpu.memory_space<vmem_shared>>) offsets(%get3A_842 : vector<16xi32>) semaphore(%arg16 : memref<!tpu.dma_semaphore, #tpu.memory_space<semaphore_mem>>) {add = true}
      %mul3A_849 = arith.constant 80 : i32
      %mul3A_850 = arith.muli %add3A_830, %mul3A_849 : i32
      %add3A_851 = arith.constant 16 : i32
      %add3A_852 = arith.addi %mul3A_850, %add3A_851 : i32
      %get3A_853 = arith.index_cast %add3A_852 : i32 to index
      %get3A_854 = tpu.vector_load %arg8[%get3A_853] {strides = array<i32>} : memref<10000xi32, #tpu.memory_space<vmem>>, vector<16xi32>,
      tpu.vector_store_idx %arg11[%get3A_854], %broadcast_in_dim3A_622 {add = true} : memref<10000xf32, #tpu.memory_space<vmem>>[vector<16xi32>], vector<16xf32>,
      %dma_start3A_855 = arith.constant 16 : i32
      %dma_start3A_856 = arith.constant 0 : i32
      %dma_start3A_857 = tpu.memref_slice %arg10[%dma_start3A_855, %dma_start3A_856] : memref<80x128xf32, #tpu.memory_space<vmem>> -> memref<16x128xf32, #tpu.memory_space<vmem>>
      %dma_start3A_858 = arith.constant 0 : i32
      %dma_start3A_859 = arith.constant 0 : i32
      %dma_start3A_860 = tpu.memref_slice %arg12[%dma_start3A_858, %dma_start3A_859] : memref<10000x128xf32, #tpu.memory_space<vmem_shared>> -> memref<10000x128xf32, #tpu.memory_space<vmem_shared>>
      tpu.enqueue_indirect_dma source(%dma_start3A_857 : memref<16x128xf32, #tpu.memory_space<vmem>>) target(%dma_start3A_860 : memref<10000x128xf32, #tpu.memory_space<vmem_shared>>) offsets(%get3A_854 : vector<16xi32>) semaphore(%arg16 : memref<!tpu.dma_semaphore, #tpu.memory_space<semaphore_mem>>) {add = true}
      %mul3A_861 = arith.constant 80 : i32
      %mul3A_862 = arith.muli %add3A_830, %mul3A_861 : i32
      %add3A_863 = arith.constant 32 : i32
      %add3A_864 = arith.addi %mul3A_862, %add3A_863 : i32
      %get3A_865 = arith.index_cast %add3A_864 : i32 to index
      %get3A_866 = tpu.vector_load %arg8[%get3A_865] {strides = array<i32>} : memref<10000xi32, #tpu.memory_space<vmem>>, vector<16xi32>,
      tpu.vector_store_idx %arg11[%get3A_866], %broadcast_in_dim3A_622 {add = true} : memref<10000xf32, #tpu.memory_space<vmem>>[vector<16xi32>], vector<16xf32>,
      %dma_start3A_867 = arith.constant 32 : i32
      %dma_start3A_868 = arith.constant 0 : i32
      %dma_start3A_869 = tpu.memref_slice %arg10[%dma_start3A_867, %dma_start3A_868] : memref<80x128xf32, #tpu.memory_space<vmem>> -> memref<16x128xf32, #tpu.memory_space<vmem>>
      %dma_start3A_870 = arith.constant 0 : i32
      %dma_start3A_871 = arith.constant 0 : i32
      %dma_start3A_872 = tpu.memref_slice %arg12[%dma_start3A_870, %dma_start3A_871] : memref<10000x128xf32, #tpu.memory_space<vmem_shared>> -> memref<10000x128xf32, #tpu.memory_space<vmem_shared>>
      tpu.enqueue_indirect_dma source(%dma_start3A_869 : memref<16x128xf32, #tpu.memory_space<vmem>>) target(%dma_start3A_872 : memref<10000x128xf32, #tpu.memory_space<vmem_shared>>) offsets(%get3A_866 : vector<16xi32>) semaphore(%arg16 : memref<!tpu.dma_semaphore, #tpu.memory_space<semaphore_mem>>) {add = true}
      %mul3A_873 = arith.constant 80 : i32
      %mul3A_874 = arith.muli %add3A_830, %mul3A_873 : i32
      %add3A_875 = arith.constant 48 : i32
      %add3A_876 = arith.addi %mul3A_874, %add3A_875 : i32
      %get3A_877 = arith.index_cast %add3A_876 : i32 to index
      %get3A_878 = tpu.vector_load %arg8[%get3A_877] {strides = array<i32>} : memref<10000xi32, #tpu.memory_space<vmem>>, vector<16xi32>,
      tpu.vector_store_idx %arg11[%get3A_878], %broadcast_in_dim3A_622 {add = true} : memref<10000xf32, #tpu.memory_space<vmem>>[vector<16xi32>], vector<16xf32>,
      %dma_start3A_879 = arith.constant 48 : i32
      %dma_start3A_880 = arith.constant 0 : i32
      %dma_start3A_881 = tpu.memref_slice %arg10[%dma_start3A_879, %dma_start3A_880] : memref<80x128xf32, #tpu.memory_space<vmem>> -> memref<16x128xf32, #tpu.memory_space<vmem>>
      %dma_start3A_882 = arith.constant 0 : i32
      %dma_start3A_883 = arith.constant 0 : i32
      %dma_start3A_884 = tpu.memref_slice %arg12[%dma_start3A_882, %dma_start3A_883] : memref<10000x128xf32, #tpu.memory_space<vmem_shared>> -> memref<10000x128xf32, #tpu.memory_space<vmem_shared>>
      tpu.enqueue_indirect_dma source(%dma_start3A_881 : memref<16x128xf32, #tpu.memory_space<vmem>>) target(%dma_start3A_884 : memref<10000x128xf32, #tpu.memory_space<vmem_shared>>) offsets(%get3A_878 : vector<16xi32>) semaphore(%arg16 : memref<!tpu.dma_semaphore, #tpu.memory_space<semaphore_mem>>) {add = true}
      %mul3A_885 = arith.constant 80 : i32
      %mul3A_886 = arith.muli %add3A_830, %mul3A_885 : i32
      %add3A_887 = arith.constant 64 : i32
      %add3A_888 = arith.addi %mul3A_886, %add3A_887 : i32
      %get3A_889 = arith.index_cast %add3A_888 : i32 to index
      %get3A_890 = tpu.vector_load %arg8[%get3A_889] {strides = array<i32>} : memref<10000xi32, #tpu.memory_space<vmem>>, vector<16xi32>,
      tpu.vector_store_idx %arg11[%get3A_890], %broadcast_in_dim3A_622 {add = true} : memref<10000xf32, #tpu.memory_space<vmem>>[vector<16xi32>], vector<16xf32>,
      %dma_start3A_891 = arith.constant 64 : i32
      %dma_start3A_892 = arith.constant 0 : i32
      %dma_start3A_893 = tpu.memref_slice %arg10[%dma_start3A_891, %dma_start3A_892] : memref<80x128xf32, #tpu.memory_space<vmem>> -> memref<16x128xf32, #tpu.memory_space<vmem>>
      %dma_start3A_894 = arith.constant 0 : i32
      %dma_start3A_895 = arith.constant 0 : i32
      %dma_start3A_896 = tpu.memref_slice %arg12[%dma_start3A_894, %dma_start3A_895] : memref<10000x128xf32, #tpu.memory_space<vmem_shared>> -> memref<10000x128xf32, #tpu.memory_space<vmem_shared>>
      tpu.enqueue_indirect_dma source(%dma_start3A_893 : memref<16x128xf32, #tpu.memory_space<vmem>>) target(%dma_start3A_896 : memref<10000x128xf32, #tpu.memory_space<vmem_shared>>) offsets(%get3A_890 : vector<16xi32>) semaphore(%arg16 : memref<!tpu.dma_semaphore, #tpu.memory_space<semaphore_mem>>) {add = true}
      %dma_wait3A_897 = arith.constant 0 : i32
      %dma_wait3A_898 = arith.constant 0 : i32
      %dma_wait3A_899 = tpu.memref_slice %arg10[%dma_wait3A_897, %dma_wait3A_898] : memref<80x128xf32, #tpu.memory_space<vmem>> -> memref<16x128xf32, #tpu.memory_space<vmem>>
      %dma_wait3A_900 = arith.constant 0 : i32
      %dma_wait3A_901 = arith.constant 0 : i32
      %dma_wait3A_902 = tpu.memref_slice %arg12[%dma_wait3A_900, %dma_wait3A_901] : memref<10000x128xf32, #tpu.memory_space<vmem_shared>> -> memref<10000x128xf32, #tpu.memory_space<vmem_shared>>
      tpu.wait_indirect_dma semaphore(%arg16 : memref<!tpu.dma_semaphore, #tpu.memory_space<semaphore_mem>>) src(%dma_wait3A_899 : memref<16x128xf32, #tpu.memory_space<vmem>>) dst(%dma_wait3A_902 : memref<10000x128xf32, #tpu.memory_space<vmem_shared>>)
      %dma_wait3A_903 = arith.constant 16 : i32
      %dma_wait3A_904 = arith.constant 0 : i32
      %dma_wait3A_905 = tpu.memref_slice %arg10[%dma_wait3A_903, %dma_wait3A_904] : memref<80x128xf32, #tpu.memory_space<vmem>> -> memref<16x128xf32, #tpu.memory_space<vmem>>
      %dma_wait3A_906 = arith.constant 0 : i32
      %dma_wait3A_907 = arith.constant 0 : i32
      %dma_wait3A_908 = tpu.memref_slice %arg12[%dma_wait3A_906, %dma_wait3A_907] : memref<10000x128xf32, #tpu.memory_space<vmem_shared>> -> memref<10000x128xf32, #tpu.memory_space<vmem_shared>>
      tpu.wait_indirect_dma semaphore(%arg16 : memref<!tpu.dma_semaphore, #tpu.memory_space<semaphore_mem>>) src(%dma_wait3A_905 : memref<16x128xf32, #tpu.memory_space<vmem>>) dst(%dma_wait3A_908 : memref<10000x128xf32, #tpu.memory_space<vmem_shared>>)
      %dma_wait3A_909 = arith.constant 32 : i32
      %dma_wait3A_910 = arith.constant 0 : i32
      %dma_wait3A_911 = tpu.memref_slice %arg10[%dma_wait3A_909, %dma_wait3A_910] : memref<80x128xf32, #tpu.memory_space<vmem>> -> memref<16x128xf32, #tpu.memory_space<vmem>>
      %dma_wait3A_912 = arith.constant 0 : i32
      %dma_wait3A_913 = arith.constant 0 : i32
      %dma_wait3A_914 = tpu.memref_slice %arg12[%dma_wait3A_912, %dma_wait3A_913] : memref<10000x128xf32, #tpu.memory_space<vmem_shared>> -> memref<10000x128xf32, #tpu.memory_space<vmem_shared>>
      tpu.wait_indirect_dma semaphore(%arg16 : memref<!tpu.dma_semaphore, #tpu.memory_space<semaphore_mem>>) src(%dma_wait3A_911 : memref<16x128xf32, #tpu.memory_space<vmem>>) dst(%dma_wait3A_914 : memref<10000x128xf32, #tpu.memory_space<vmem_shared>>)
      %dma_wait3A_915 = arith.constant 48 : i32
      %dma_wait3A_916 = arith.constant 0 : i32
      %dma_wait3A_917 = tpu.memref_slice %arg10[%dma_wait3A_915, %dma_wait3A_916] : memref<80x128xf32, #tpu.memory_space<vmem>> -> memref<16x128xf32, #tpu.memory_space<vmem>>
      %dma_wait3A_918 = arith.constant 0 : i32
      %dma_wait3A_919 = arith.constant 0 : i32
      %dma_wait3A_920 = tpu.memref_slice %arg12[%dma_wait3A_918, %dma_wait3A_919] : memref<10000x128xf32, #tpu.memory_space<vmem_shared>> -> memref<10000x128xf32, #tpu.memory_space<vmem_shared>>
      tpu.wait_indirect_dma semaphore(%arg16 : memref<!tpu.dma_semaphore, #tpu.memory_space<semaphore_mem>>) src(%dma_wait3A_917 : memref<16x128xf32, #tpu.memory_space<vmem>>) dst(%dma_wait3A_920 : memref<10000x128xf32, #tpu.memory_space<vmem_shared>>)
      %dma_wait3A_921 = arith.constant 64 : i32
      %dma_wait3A_922 = arith.constant 0 : i32
      %dma_wait3A_923 = tpu.memref_slice %arg10[%dma_wait3A_921, %dma_wait3A_922] : memref<80x128xf32, #tpu.memory_space<vmem>> -> memref<16x128xf32, #tpu.memory_space<vmem>>
      %dma_wait3A_924 = arith.constant 0 : i32
      %dma_wait3A_925 = arith.constant 0 : i32
      %dma_wait3A_926 = tpu.memref_slice %arg12[%dma_wait3A_924, %dma_wait3A_925] : memref<10000x128xf32, #tpu.memory_space<vmem_shared>> -> memref<10000x128xf32, #tpu.memory_space<vmem_shared>>
      tpu.wait_indirect_dma semaphore(%arg16 : memref<!tpu.dma_semaphore, #tpu.memory_space<semaphore_mem>>) src(%dma_wait3A_923 : memref<16x128xf32, #tpu.memory_space<vmem>>) dst(%dma_wait3A_926 : memref<10000x128xf32, #tpu.memory_space<vmem_shared>>)
      %lt3A = arith.constant 61 : i32
      %lt3A_927 = arith.cmpi slt, %scan3A_722, %lt3A : i32
      %convert_element_type3A_928 = arith.extui %lt3A_927 : i1 to i32
      %cond3A_929 = arith.constant 0 : i32
      %cond3A_930 = arith.cmpi ne, %convert_element_type3A_928, %cond3A_929 : i32
      scf.if %cond3A_930 {
        %add3A_931 = arith.constant 3 : i32
        %add3A_932 = arith.addi %mul3A_724, %add3A_931 : i32
        %mul3A_933 = arith.constant 80 : i32
        %mul3A_934 = arith.muli %add3A_932, %mul3A_933 : i32
        %dma_start3A_935 = tpu.memref_slice %arg7[%mul3A_934] : memref<10000xi32, #tpu.memory_space<vmem>> -> memref<80xi32, #tpu.memory_space<vmem>>
        %dma_start3A_936 = arith.constant 0 : i32
        %dma_start3A_937 = arith.constant 0 : i32
        %dma_start3A_938 = tpu.memref_slice %arg2[%dma_start3A_936, %dma_start3A_937] : memref<320000x128xf32, #tpu.memory_space<hbm>> -> memref<320000x128xf32, #tpu.memory_space<hbm>>
        tpu.enqueue_indirect_dma source(%dma_start3A_938 : memref<320000x128xf32, #tpu.memory_space<hbm>>) target(%arg10 : memref<80x128xf32, #tpu.memory_space<vmem>>) offsets(%dma_start3A_935 : memref<80xi32, #tpu.memory_space<vmem>>) semaphore(%arg14 : memref<!tpu.dma_semaphore, #tpu.memory_space<semaphore_mem>>)
      } else {
      }
    }
    %scan3A_638 = arith.constant 62 : i32
    %dma_wait3A_639 = arith.constant 9920 : i32
    %dma_wait3A_640 = tpu.memref_slice %arg7[%dma_wait3A_639] : memref<10000xi32, #tpu.memory_space<vmem>> -> memref<80xi32, #tpu.memory_space<vmem>>
    %dma_wait3A_641 = arith.constant 0 : i32
    %dma_wait3A_642 = arith.constant 0 : i32
    %dma_wait3A_643 = tpu.memref_slice %arg2[%dma_wait3A_641, %dma_wait3A_642] : memref<320000x128xf32, #tpu.memory_space<hbm>> -> memref<320000x128xf32, #tpu.memory_space<hbm>>
    tpu.wait_indirect_dma semaphore(%arg13 : memref<!tpu.dma_semaphore, #tpu.memory_space<semaphore_mem>>) src(%dma_wait3A_643 : memref<320000x128xf32, #tpu.memory_space<hbm>>) dst(%arg9 : memref<80x128xf32, #tpu.memory_space<vmem>>)
    %get3A = arith.constant 9920 : index
    %get3A_644 = tpu.vector_load %arg8[%get3A] {strides = array<i32>} : memref<10000xi32, #tpu.memory_space<vmem>>, vector<16xi32>,
    tpu.vector_store_idx %arg11[%get3A_644], %broadcast_in_dim3A_622 {add = true} : memref<10000xf32, #tpu.memory_space<vmem>>[vector<16xi32>], vector<16xf32>,
    %dma_start3A_645 = arith.constant 0 : i32
    %dma_start3A_646 = arith.constant 0 : i32
    %dma_start3A_647 = tpu.memref_slice %arg9[%dma_start3A_645, %dma_start3A_646] : memref<80x128xf32, #tpu.memory_space<vmem>> -> memref<16x128xf32, #tpu.memory_space<vmem>>
    %dma_start3A_648 = arith.constant 0 : i32
    %dma_start3A_649 = arith.constant 0 : i32
    %dma_start3A_650 = tpu.memref_slice %arg12[%dma_start3A_648, %dma_start3A_649] : memref<10000x128xf32, #tpu.memory_space<vmem_shared>> -> memref<10000x128xf32, #tpu.memory_space<vmem_shared>>
    tpu.enqueue_indirect_dma source(%dma_start3A_647 : memref<16x128xf32, #tpu.memory_space<vmem>>) target(%dma_start3A_650 : memref<10000x128xf32, #tpu.memory_space<vmem_shared>>) offsets(%get3A_644 : vector<16xi32>) semaphore(%arg15 : memref<!tpu.dma_semaphore, #tpu.memory_space<semaphore_mem>>) {add = true}
    %get3A_651 = arith.constant 9936 : index
    %get3A_652 = tpu.vector_load %arg8[%get3A_651] {strides = array<i32>} : memref<10000xi32, #tpu.memory_space<vmem>>, vector<16xi32>,
    tpu.vector_store_idx %arg11[%get3A_652], %broadcast_in_dim3A_622 {add = true} : memref<10000xf32, #tpu.memory_space<vmem>>[vector<16xi32>], vector<16xf32>,
    %dma_start3A_653 = arith.constant 16 : i32
    %dma_start3A_654 = arith.constant 0 : i32
    %dma_start3A_655 = tpu.memref_slice %arg9[%dma_start3A_653, %dma_start3A_654] : memref<80x128xf32, #tpu.memory_space<vmem>> -> memref<16x128xf32, #tpu.memory_space<vmem>>
    %dma_start3A_656 = arith.constant 0 : i32
    %dma_start3A_657 = arith.constant 0 : i32
    %dma_start3A_658 = tpu.memref_slice %arg12[%dma_start3A_656, %dma_start3A_657] : memref<10000x128xf32, #tpu.memory_space<vmem_shared>> -> memref<10000x128xf32, #tpu.memory_space<vmem_shared>>
    tpu.enqueue_indirect_dma source(%dma_start3A_655 : memref<16x128xf32, #tpu.memory_space<vmem>>) target(%dma_start3A_658 : memref<10000x128xf32, #tpu.memory_space<vmem_shared>>) offsets(%get3A_652 : vector<16xi32>) semaphore(%arg15 : memref<!tpu.dma_semaphore, #tpu.memory_space<semaphore_mem>>) {add = true}
    %get3A_659 = arith.constant 9952 : index
    %get3A_660 = tpu.vector_load %arg8[%get3A_659] {strides = array<i32>} : memref<10000xi32, #tpu.memory_space<vmem>>, vector<16xi32>,
    tpu.vector_store_idx %arg11[%get3A_660], %broadcast_in_dim3A_622 {add = true} : memref<10000xf32, #tpu.memory_space<vmem>>[vector<16xi32>], vector<16xf32>,
    %dma_start3A_661 = arith.constant 32 : i32
    %dma_start3A_662 = arith.constant 0 : i32
    %dma_start3A_663 = tpu.memref_slice %arg9[%dma_start3A_661, %dma_start3A_662] : memref<80x128xf32, #tpu.memory_space<vmem>> -> memref<16x128xf32, #tpu.memory_space<vmem>>
    %dma_start3A_664 = arith.constant 0 : i32
    %dma_start3A_665 = arith.constant 0 : i32
    %dma_start3A_666 = tpu.memref_slice %arg12[%dma_start3A_664, %dma_start3A_665] : memref<10000x128xf32, #tpu.memory_space<vmem_shared>> -> memref<10000x128xf32, #tpu.memory_space<vmem_shared>>
    tpu.enqueue_indirect_dma source(%dma_start3A_663 : memref<16x128xf32, #tpu.memory_space<vmem>>) target(%dma_start3A_666 : memref<10000x128xf32, #tpu.memory_space<vmem_shared>>) offsets(%get3A_660 : vector<16xi32>) semaphore(%arg15 : memref<!tpu.dma_semaphore, #tpu.memory_space<semaphore_mem>>) {add = true}
    %get3A_667 = arith.constant 9968 : index
    %get3A_668 = tpu.vector_load %arg8[%get3A_667] {strides = array<i32>} : memref<10000xi32, #tpu.memory_space<vmem>>, vector<16xi32>,
    tpu.vector_store_idx %arg11[%get3A_668], %broadcast_in_dim3A_622 {add = true} : memref<10000xf32, #tpu.memory_space<vmem>>[vector<16xi32>], vector<16xf32>,
    %dma_start3A_669 = arith.constant 48 : i32
    %dma_start3A_670 = arith.constant 0 : i32
    %dma_start3A_671 = tpu.memref_slice %arg9[%dma_start3A_669, %dma_start3A_670] : memref<80x128xf32, #tpu.memory_space<vmem>> -> memref<16x128xf32, #tpu.memory_space<vmem>>
    %dma_start3A_672 = arith.constant 0 : i32
    %dma_start3A_673 = arith.constant 0 : i32
    %dma_start3A_674 = tpu.memref_slice %arg12[%dma_start3A_672, %dma_start3A_673] : memref<10000x128xf32, #tpu.memory_space<vmem_shared>> -> memref<10000x128xf32, #tpu.memory_space<vmem_shared>>
    tpu.enqueue_indirect_dma source(%dma_start3A_671 : memref<16x128xf32, #tpu.memory_space<vmem>>) target(%dma_start3A_674 : memref<10000x128xf32, #tpu.memory_space<vmem_shared>>) offsets(%get3A_668 : vector<16xi32>) semaphore(%arg15 : memref<!tpu.dma_semaphore, #tpu.memory_space<semaphore_mem>>) {add = true}
    %get3A_675 = arith.constant 9984 : index
    %get3A_676 = tpu.vector_load %arg8[%get3A_675] {strides = array<i32>} : memref<10000xi32, #tpu.memory_space<vmem>>, vector<16xi32>,
    tpu.vector_store_idx %arg11[%get3A_676], %broadcast_in_dim3A_622 {add = true} : memref<10000xf32, #tpu.memory_space<vmem>>[vector<16xi32>], vector<16xf32>,
    %dma_start3A_677 = arith.constant 64 : i32
    %dma_start3A_678 = arith.constant 0 : i32
    %dma_start3A_679 = tpu.memref_slice %arg9[%dma_start3A_677, %dma_start3A_678] : memref<80x128xf32, #tpu.memory_space<vmem>> -> memref<16x128xf32, #tpu.memory_space<vmem>>
    %dma_start3A_680 = arith.constant 0 : i32
    %dma_start3A_681 = arith.constant 0 : i32
    %dma_start3A_682 = tpu.memref_slice %arg12[%dma_start3A_680, %dma_start3A_681] : memref<10000x128xf32, #tpu.memory_space<vmem_shared>> -> memref<10000x128xf32, #tpu.memory_space<vmem_shared>>
    tpu.enqueue_indirect_dma source(%dma_start3A_679 : memref<16x128xf32, #tpu.memory_space<vmem>>) target(%dma_start3A_682 : memref<10000x128xf32, #tpu.memory_space<vmem_shared>>) offsets(%get3A_676 : vector<16xi32>) semaphore(%arg15 : memref<!tpu.dma_semaphore, #tpu.memory_space<semaphore_mem>>) {add = true}
    %dma_wait3A_683 = arith.constant 0 : i32
    %dma_wait3A_684 = arith.constant 0 : i32
    %dma_wait3A_685 = tpu.memref_slice %arg9[%dma_wait3A_683, %dma_wait3A_684] : memref<80x128xf32, #tpu.memory_space<vmem>> -> memref<16x128xf32, #tpu.memory_space<vmem>>
    %dma_wait3A_686 = arith.constant 0 : i32
    %dma_wait3A_687 = arith.constant 0 : i32
    %dma_wait3A_688 = tpu.memref_slice %arg12[%dma_wait3A_686, %dma_wait3A_687] : memref<10000x128xf32, #tpu.memory_space<vmem_shared>> -> memref<10000x128xf32, #tpu.memory_space<vmem_shared>>
    tpu.wait_indirect_dma semaphore(%arg15 : memref<!tpu.dma_semaphore, #tpu.memory_space<semaphore_mem>>) src(%dma_wait3A_685 : memref<16x128xf32, #tpu.memory_space<vmem>>) dst(%dma_wait3A_688 : memref<10000x128xf32, #tpu.memory_space<vmem_shared>>)
    %dma_wait3A_689 = arith.constant 16 : i32
    %dma_wait3A_690 = arith.constant 0 : i32
    %dma_wait3A_691 = tpu.memref_slice %arg9[%dma_wait3A_689, %dma_wait3A_690] : memref<80x128xf32, #tpu.memory_space<vmem>> -> memref<16x128xf32, #tpu.memory_space<vmem>>
    %dma_wait3A_692 = arith.constant 0 : i32
    %dma_wait3A_693 = arith.constant 0 : i32
    %dma_wait3A_694 = tpu.memref_slice %arg12[%dma_wait3A_692, %dma_wait3A_693] : memref<10000x128xf32, #tpu.memory_space<vmem_shared>> -> memref<10000x128xf32, #tpu.memory_space<vmem_shared>>
    tpu.wait_indirect_dma semaphore(%arg15 : memref<!tpu.dma_semaphore, #tpu.memory_space<semaphore_mem>>) src(%dma_wait3A_691 : memref<16x128xf32, #tpu.memory_space<vmem>>) dst(%dma_wait3A_694 : memref<10000x128xf32, #tpu.memory_space<vmem_shared>>)
    %dma_wait3A_695 = arith.constant 32 : i32
    %dma_wait3A_696 = arith.constant 0 : i32
    %dma_wait3A_697 = tpu.memref_slice %arg9[%dma_wait3A_695, %dma_wait3A_696] : memref<80x128xf32, #tpu.memory_space<vmem>> -> memref<16x128xf32, #tpu.memory_space<vmem>>
    %dma_wait3A_698 = arith.constant 0 : i32
    %dma_wait3A_699 = arith.constant 0 : i32
    %dma_wait3A_700 = tpu.memref_slice %arg12[%dma_wait3A_698, %dma_wait3A_699] : memref<10000x128xf32, #tpu.memory_space<vmem_shared>> -> memref<10000x128xf32, #tpu.memory_space<vmem_shared>>
    tpu.wait_indirect_dma semaphore(%arg15 : memref<!tpu.dma_semaphore, #tpu.memory_space<semaphore_mem>>) src(%dma_wait3A_697 : memref<16x128xf32, #tpu.memory_space<vmem>>) dst(%dma_wait3A_700 : memref<10000x128xf32, #tpu.memory_space<vmem_shared>>)
    %dma_wait3A_701 = arith.constant 48 : i32
    %dma_wait3A_702 = arith.constant 0 : i32
    %dma_wait3A_703 = tpu.memref_slice %arg9[%dma_wait3A_701, %dma_wait3A_702] : memref<80x128xf32, #tpu.memory_space<vmem>> -> memref<16x128xf32, #tpu.memory_space<vmem>>
    %dma_wait3A_704 = arith.constant 0 : i32
    %dma_wait3A_705 = arith.constant 0 : i32
    %dma_wait3A_706 = tpu.memref_slice %arg12[%dma_wait3A_704, %dma_wait3A_705] : memref<10000x128xf32, #tpu.memory_space<vmem_shared>> -> memref<10000x128xf32, #tpu.memory_space<vmem_shared>>
    tpu.wait_indirect_dma semaphore(%arg15 : memref<!tpu.dma_semaphore, #tpu.memory_space<semaphore_mem>>) src(%dma_wait3A_703 : memref<16x128xf32, #tpu.memory_space<vmem>>) dst(%dma_wait3A_706 : memref<10000x128xf32, #tpu.memory_space<vmem_shared>>)
    %dma_wait3A_707 = arith.constant 64 : i32
    %dma_wait3A_708 = arith.constant 0 : i32
    %dma_wait3A_709 = tpu.memref_slice %arg9[%dma_wait3A_707, %dma_wait3A_708] : memref<80x128xf32, #tpu.memory_space<vmem>> -> memref<16x128xf32, #tpu.memory_space<vmem>>
    %dma_wait3A_710 = arith.constant 0 : i32
    %dma_wait3A_711 = arith.constant 0 : i32
    %dma_wait3A_712 = tpu.memref_slice %arg12[%dma_wait3A_710, %dma_wait3A_711] : memref<10000x128xf32, #tpu.memory_space<vmem_shared>> -> memref<10000x128xf32, #tpu.memory_space<vmem_shared>>
    tpu.wait_indirect_dma semaphore(%arg15 : memref<!tpu.dma_semaphore, #tpu.memory_space<semaphore_mem>>) src(%dma_wait3A_709 : memref<16x128xf32, #tpu.memory_space<vmem>>) dst(%dma_wait3A_712 : memref<10000x128xf32, #tpu.memory_space<vmem_shared>>)
    %barrier3A_713 = arith.constant 0 : index
    tpu.barrier barrier_id(%barrier3A_713)
    %mul3A_714 = arith.constant 624 : i32
    %mul3A_715 = arith.muli %arg1, %mul3A_714 : i32
    %mul3A_716 = arith.constant 624 : i32
    %mul3A_717 = arith.muli %arg1, %mul3A_716 : i32
    "tpu.region"() ({
      %run_scoped3A = tpu.sem_alloc : memref<!tpu.dma_semaphore, #tpu.memory_space<semaphore_mem>>
      %dma_start3A_722 = arith.constant 0 : i32
      %dma_start3A_723 = tpu.memref_slice %arg5[%arg0, %mul3A_717, %dma_start3A_722] : memref<2x10000x128xf32, #tpu.memory_space<hbm>> -> memref<1x624x128xf32, #tpu.memory_space<hbm>>
      %dma_start3A_724 = tpu.memref_squeeze %dma_start3A_723 : memref<1x624x128xf32, #tpu.memory_space<hbm>> -> memref<624x128xf32, #tpu.memory_space<hbm>>
      %dma_start3A_725 = arith.constant 0 : i32
      %dma_start3A_726 = tpu.memref_slice %arg12[%mul3A_715, %dma_start3A_725] : memref<10000x128xf32, #tpu.memory_space<vmem_shared>> -> memref<624x128xf32, #tpu.memory_space<vmem_shared>>
      tpu.enqueue_dma source(%dma_start3A_726 : memref<624x128xf32, #tpu.memory_space<vmem_shared>>) target(%dma_start3A_724 : memref<624x128xf32, #tpu.memory_space<hbm>>) target_semaphore(%run_scoped3A : memref<!tpu.dma_semaphore, #tpu.memory_space<semaphore_mem>>)
      %dma_wait3A_727 = arith.constant 0 : i32
      %dma_wait3A_728 = tpu.memref_slice %arg5[%arg0, %mul3A_717, %dma_wait3A_727] : memref<2x10000x128xf32, #tpu.memory_space<hbm>> -> memref<1x624x128xf32, #tpu.memory_space<hbm>>
      %dma_wait3A_729 = tpu.memref_squeeze %dma_wait3A_728 : memref<1x624x128xf32, #tpu.memory_space<hbm>> -> memref<624x128xf32, #tpu.memory_space<hbm>>
      %dma_wait3A_730 = arith.constant 0 : i32
      %dma_wait3A_731 = tpu.memref_slice %arg12[%mul3A_715, %dma_wait3A_730] : memref<10000x128xf32, #tpu.memory_space<vmem_shared>> -> memref<624x128xf32, #tpu.memory_space<vmem_shared>>
      tpu.wait_dma2 semaphore(%run_scoped3A : memref<!tpu.dma_semaphore, #tpu.memory_space<semaphore_mem>>) src(%dma_wait3A_731 : memref<624x128xf32, #tpu.memory_space<vmem_shared>>) dst(%dma_wait3A_729 : memref<624x128xf32, #tpu.memory_space<hbm>>)
      tpu.yield
    }) : () -> ()
    %eq3A = arith.constant 15 : i32
    %eq3A_718 = arith.cmpi eq, %arg1, %eq3A : i32
    %convert_element_type3A = arith.extui %eq3A_718 : i1 to i32
    %cond3A = arith.constant 0 : i32
    %cond3A_719 = arith.cmpi ne, %convert_element_type3A, %cond3A : i32
    scf.if %cond3A_719 {
      "tpu.region"() ({
        %run_scoped3A = tpu.sem_alloc : memref<!tpu.dma_semaphore, #tpu.memory_space<semaphore_mem>>
        %dma_start3A_722 = arith.constant 9984 : i32
        %dma_start3A_723 = arith.constant 0 : i32
        %dma_start3A_724 = tpu.memref_slice %arg5[%arg0, %dma_start3A_722, %dma_start3A_723] : memref<2x10000x128xf32, #tpu.memory_space<hbm>> -> memref<1x16x128xf32, #tpu.memory_space<hbm>>
        %dma_start3A_725 = tpu.memref_squeeze %dma_start3A_724 : memref<1x16x128xf32, #tpu.memory_space<hbm>> -> memref<16x128xf32, #tpu.memory_space<hbm>>
        %dma_start3A_726 = arith.constant 9984 : i32
        %dma_start3A_727 = arith.constant 0 : i32
        %dma_start3A_728 = tpu.memref_slice %arg12[%dma_start3A_726, %dma_start3A_727] : memref<10000x128xf32, #tpu.memory_space<vmem_shared>> -> memref<16x128xf32, #tpu.memory_space<vmem_shared>>
        tpu.enqueue_dma source(%dma_start3A_728 : memref<16x128xf32, #tpu.memory_space<vmem_shared>>) target(%dma_start3A_725 : memref<16x128xf32, #tpu.memory_space<hbm>>) target_semaphore(%run_scoped3A : memref<!tpu.dma_semaphore, #tpu.memory_space<semaphore_mem>>)
        %dma_wait3A_729 = arith.constant 9984 : i32
        %dma_wait3A_730 = arith.constant 0 : i32
        %dma_wait3A_731 = tpu.memref_slice %arg5[%arg0, %dma_wait3A_729, %dma_wait3A_730] : memref<2x10000x128xf32, #tpu.memory_space<hbm>> -> memref<1x16x128xf32, #tpu.memory_space<hbm>>
        %dma_wait3A_732 = tpu.memref_squeeze %dma_wait3A_731 : memref<1x16x128xf32, #tpu.memory_space<hbm>> -> memref<16x128xf32, #tpu.memory_space<hbm>>
        %dma_wait3A_733 = arith.constant 9984 : i32
        %dma_wait3A_734 = arith.constant 0 : i32
        %dma_wait3A_735 = tpu.memref_slice %arg12[%dma_wait3A_733, %dma_wait3A_734] : memref<10000x128xf32, #tpu.memory_space<vmem_shared>> -> memref<16x128xf32, #tpu.memory_space<vmem_shared>>
        tpu.wait_dma2 semaphore(%run_scoped3A : memref<!tpu.dma_semaphore, #tpu.memory_space<semaphore_mem>>) src(%dma_wait3A_735 : memref<16x128xf32, #tpu.memory_space<vmem_shared>>) dst(%dma_wait3A_732 : memref<16x128xf32, #tpu.memory_space<hbm>>)
        tpu.yield
      }) : () -> ()
    } else {
    }
    %mul3A_720 = arith.constant 10000 : i32
    %mul3A_721 = arith.muli %add3A, %mul3A_720 : i32
    "tpu.region"() ({
      %run_scoped3A = tpu.sem_alloc : memref<!tpu.dma_semaphore, #tpu.memory_space<semaphore_mem>>
      %dma_start3A_722 = tpu.memref_slice %arg6[%mul3A_721] : memref<320000xf32, #tpu.memory_space<hbm>> -> memref<10000xf32, #tpu.memory_space<hbm>>
      %dma_start3A_723 = tpu.memref_slice %arg6[%mul3A_721] : memref<320000xf32, #tpu.memory_space<hbm>> -> memref<10000xf32, #tpu.memory_space<hbm>>
      tpu.enqueue_dma source(%arg11 : memref<10000xf32, #tpu.memory_space<vmem>>) target(%dma_start3A_723 : memref<10000xf32, #tpu.memory_space<hbm>>) target_semaphore(%run_scoped3A : memref<!tpu.dma_semaphore, #tpu.memory_space<semaphore_mem>>)
      %dma_wait3A_724 = tpu.memref_slice %arg6[%mul3A_721] : memref<320000xf32, #tpu.memory_space<hbm>> -> memref<10000xf32, #tpu.memory_space<hbm>>
      %dma_wait3A_725 = tpu.memref_slice %arg6[%mul3A_721] : memref<320000xf32, #tpu.memory_space<hbm>> -> memref<10000xf32, #tpu.memory_space<hbm>>
      tpu.wait_dma2 semaphore(%run_scoped3A : memref<!tpu.dma_semaphore, #tpu.memory_space<semaphore_mem>>) src(%arg11 : memref<10000xf32, #tpu.memory_space<vmem>>) dst(%dma_wait3A_725 : memref<10000xf32, #tpu.memory_space<hbm>>)
      tpu.yield
    }) : () -> ()
    return
  }
}

module attributes {stable_mosaic.version = 14 : i64} {
  func.func @body(%arg0: i32, %arg1: memref<1000x128xf32, #tpu.memory_space<vmem>>, %arg2: memref<1000x128xf32, #tpu.memory_space<vmem>>, %arg3: memref<1000x32xf32, #tpu.memory_space<vmem>>, %arg4: memref<1000x128xf32, #tpu.memory_space<vmem>>) attributes {dimension_semantics = [#tpu.dimension_semantics<arbitrary>], iteration_bounds = array<i64: 10>, scalar_prefetch = 0 : i64, scratch_operands = 0 : i64, tpu.core_type = #tpu.core_type<tc>, window_params = [{transform_indices = @transform_0, window_bounds = array<i64: 1000, 128>}, {transform_indices = @transform_1, window_bounds = array<i64: 1000, 128>}, {transform_indices = @transform_2, window_bounds = array<i64: 1000, 32>}, {transform_indices = @transform_3, window_bounds = array<i64: 1000, 128>}]} {
    %get3A = arith.constant 0 : index
    %get3A_0 = arith.constant 0 : index
    %get3A_1 = vector.load %arg3[%get3A, %get3A_0] : memref<1000x32xf32, #tpu.memory_space<vmem>>, vector<1000x32xf32>
    %reduce_sum3A = arith.constant dense<0.000000e+00> : vector<1000xf32>
    %reduce_sum3A_2 = vector.multi_reduction <add>, %get3A_1, %reduce_sum3A [1] : vector<1000x32xf32> to vector<1000xf32>
    %max3A = arith.constant 1.000000e+00 : f32
    %max3A_3 = vector.broadcast %max3A : f32 to vector<1000xf32>
    %max3A_4 = arith.maximumf %reduce_sum3A_2, %max3A_3 : vector<1000xf32>
    %get3A_5 = arith.constant 0 : index
    %get3A_6 = arith.constant 0 : index
    %get3A_7 = vector.load %arg1[%get3A_5, %get3A_6] : memref<1000x128xf32, #tpu.memory_space<vmem>>, vector<1000x128xf32>
    %get3A_8 = arith.constant 0 : index
    %get3A_9 = arith.constant 0 : index
    %get3A_10 = vector.load %arg2[%get3A_8, %get3A_9] : memref<1000x128xf32, #tpu.memory_space<vmem>>, vector<1000x128xf32>
    %add3A = arith.addf %get3A_7, %get3A_10 : vector<1000x128xf32>
    %broadcast_in_dim3A = vector.shape_cast %max3A_4 : vector<1000xf32> to vector<1000x1xf32>
    %div3A = vector.broadcast %broadcast_in_dim3A : vector<1000x1xf32> to vector<1000x128xf32>
    %div3A_11 = arith.divf %add3A, %div3A : vector<1000x128xf32>
    %swap3A = arith.constant 0 : index
    %swap3A_12 = arith.constant 0 : index
    %swap3A_13 = vector.load %arg4[%swap3A, %swap3A_12] : memref<1000x128xf32, #tpu.memory_space<vmem>>, vector<1000x128xf32>
    tpu.vector_store %arg4[%swap3A, %swap3A_12], %div3A_11 {strides = array<i32>} : memref<1000x128xf32, #tpu.memory_space<vmem>>, vector<1000x128xf32>,
    return
  }
  func.func @transform_0(%arg0: i32) -> (i32, i32) {
    %c0_i32 = arith.constant 0 : i32
    %c0_i32_0 = arith.constant 0 : i32
    return %arg0, %c0_i32 : i32, i32
  }
  func.func @transform_1(%arg0: i32) -> (i32, i32) {
    %c0_i32 = arith.constant 0 : i32
    %c0_i32_0 = arith.constant 0 : i32
    return %arg0, %c0_i32 : i32, i32
  }
  func.func @transform_2(%arg0: i32) -> (i32, i32) {
    %c0_i32 = arith.constant 0 : i32
    %c0_i32_0 = arith.constant 0 : i32
    return %arg0, %c0_i32 : i32, i32
  }
  func.func @transform_3(%arg0: i32) -> (i32, i32) {
    %c0_i32 = arith.constant 0 : i32
    %c0_i32_0 = arith.constant 0 : i32
    return %arg0, %c0_i32 : i32, i32
  }
}

</mosaic_0001>

<sc_bundles>
// kernel: kernel.4.cloned.1.call-start
scs
__scs_entry_jumppad:
0x0: {  	(pc) =	sbr.rel $0x88, $3  }
0x1: {  	(tag) =	ssettag $0x0;
	lr =	simm.s32 $0x1  }
0x2: {  	[smem:$0x3F9E] =	sst lr;
	_ =	strace $0xD0000000  }
0x3: {  	_ = 	snop  }
0x4: {  	_ = 	snop  }
0x5: {  	_ = 	snop  }
0x6: {  	_ = 	snop  }
0x7: {  	_ = 	snop  }
__scs_overlays_trampoline_lowered:
0x8: {  	[smem:$0x3FAD] =	sst s0  }
0x9: {  	[smem:$0x3FAE] =	sst s1  }
0xa: {  	[smem:$0x3FAF] =	sst s2  }
0xb: {  	[smem:$0x3FB0] =	sst s3  }
0xc: {  	[smem:$0x3FB1] =	sst s4  }
0xd: {  	[smem:$0x3FB2] =	sst s5  }
0xe: {  	[smem:$0x3FB3] =	sst s6  }
0xf: {  	[smem:$0x3FB4] =	sst s7  }
0x10: {  	[smem:$0x3FB5] =	sst s8  }
0x11: {  	[smem:$0x3FB6] =	sst s9;
	s0 =	simm.s32 @!p0 $0x0  }
0x12: {  	s1 =	sld [smem:$0x3F9C];
	s0 =	simm.s32 @p0 $0x1  }
0x13: {  	[smem:$0x3FB7] =	sst s0;
	s0 =	simm.s32 @!p1 $0x0  }
0x14: {  	s2 =	sld [smem:$0x3F9B];
	s0 =	simm.s32 @p1 $0x1  }
0x15: {  	[smem:$0x3FB8] =	sst s0;
	s0 =	simm.s32 @!p2 $0x0  }
0x16: {  	s3 =	sld [smem:$0x3FDB];
	s0 =	simm.s32 @p2 $0x1  }
0x17: {  	s4 =	simm.s32 $0x1BF5;
	[smem:$0x3FBA] =	sst s0  }
0x18: {  	s0 =	sld [smem:$0x3F9D];
	_ =	swait.ge [sflag:s4], $0x0  }
0x19: {  	s7 =	sld [smem:$0x3F9E]  }
0x1a: {  	s8 =	sadd.s32 $0xFFFFE003, lr  }
0x1b: {  	s9 =	sadd.s32 $0xFFFFFEF7, lr;
	s5 =	simm.s32 $0xFFFFFFFF;
	p2 =	slt.u32 s8, $0xFFFFF086  }
0x1c: {  	p1 =	slt.u32 s9, $0xF7A;
	s5 =	simm.s32 @!p2 $0x0  }
0x1d: {  	s5 =	simm.s32 @p1 $0x1;
	p0 =	seq.s32 s7, s2  }
0x1e: {  	s7 =	smul.u32 @!p0 $0xF7A, s2;
	p2 =	seq.s32 @!p0 s5, $0x0  }
0x1f: {  	s9 =	smul.u32 $0xF7A, s1;
	s8 =	simm.s32 @!p0 $0x1BF5;
	p2 =	por !p2, p0  }
0x20: {  	[sflag:s8] =	ssyncset.s32 @!p0 $0xFFFFF086;
	s6 =	sadd.s32 @!p0 s3, s7;
	s7 =	simm.s32 @!p0 $0x108  }
0x21: {  	s3 =	sadd.s32 s3, s9;
	s6 =	sadd.s32 @!p0 $0x88, s6;
	s7 =	simm.s32 @p2 $0x1082  }
0x22: {  	[simem:s7], [sflag:s8] =	dma.local @!p0 [hbm:s6], $0xF7A  }
0x23: {  	s9 =	sor.u32 $0xD0000000, s2;
	s6 =	simm.s32 $0x108;
	_ =	swait.ge @!p0 [sflag:s8], $0x0  }
0x24: {  	s3 =	sadd.s32 $0x88, s3;
	s6 =	simm.s32 @!p1 $0x1082;
	[sflag:s4] =	ssyncset.s32 $0xFFFFF086  }
0x25: {  	[simem:s6], [sflag:s4] =	dma.local [hbm:s3], $0xF7A  }
0x26: {  	[smem:$0x3F9E] =	sst s1;
	(tag) =	ssettag s2;
	_ =	strace s9  }
0x27: {  	s1 =	sld [smem:$0x3FAE]  }
0x28: {  	s2 =	sld [smem:$0x3FAF]  }
0x29: {  	s4 =	sld [smem:$0x3FB1]  }
0x2a: {  	p0 =	seq.s32 s5, $0x0;
	s5 =	sld [smem:$0x3FB2]  }
0x2b: {  	s6 =	sld [smem:$0x3FB3]  }
0x2c: {  	s7 =	sld [smem:$0x3FB4]  }
0x2d: {  	s3 =	simm.s32 $0x108;
	s8 =	sld [smem:$0x3FB5]  }
0x2e: {  	s3 =	simm.s32 @!p0 $0x1082;
	s9 =	sld [smem:$0x3FB6]  }
0x2f: {  	lr =	sadd.s32 s0, s3;
	s0 =	sld [smem:$0x3FAD]  }
0x30: {  	s3 =	sld [smem:$0x3FB0]  }
0x31: {  	[smem:$0x3FB9] =	sst s10  }
0x32: {  	s10 =	sld [smem:$0x3FB7];
	_ =	sdelay $0x3  }
0x33: {  	p0 =	seq.s32 s10, $0x1;
	s10 =	sld [smem:$0x3FB9];
	_ =	sdelay $0x3  }
0x34: {  	[smem:$0x3FB9] =	sst s10  }
0x35: {  	s10 =	sld [smem:$0x3FB8];
	_ =	sdelay $0x3  }
0x36: {  	p1 =	seq.s32 s10, $0x1;
	s10 =	sld [smem:$0x3FB9];
	_ =	sdelay $0x3  }
0x37: {  	[smem:$0x3FB9] =	sst s10  }
0x38: {  	s10 =	sld [smem:$0x3FBA]  }
0x39: {  	_ = 	snop;
	(pc) =	sbr.ind lr, $3  }
0x3a: {  	_ = 	snop  }
0x3b: {  	_ = 	snop  }
0x3c: {  	p2 =	seq.s32 s10, $0x1;
	s10 =	sld [smem:$0x3FB9]  }
0x3d: {  	_ =	shalt  }
0x3e: {  	_ =	shalt  }
0x3f: {  	_ =	shalt  }
0x40: {  	_ =	shalt  }
0x41: {  	_ =	shalt  }
0x42: {  	_ =	shalt  }
0x43: {  	_ =	shalt  }
0x44: {  	_ =	shalt  }
0x45: {  	_ =	shalt  }
0x46: {  	_ =	shalt  }
0x47: {  	_ =	shalt  }
0x48: {  	_ =	shalt  }
0x49: {  	_ =	shalt  }
0x4a: {  	_ =	shalt  }
0x4b: {  	_ =	shalt  }
0x4c: {  	_ =	shalt  }
0x4d: {  	_ =	shalt  }
0x4e: {  	_ =	shalt  }
0x4f: {  	_ =	shalt  }
0x50: {  	_ =	shalt  }
0x51: {  	_ =	shalt  }
0x52: {  	_ =	shalt  }
0x53: {  	_ =	shalt  }
0x54: {  	_ =	shalt  }
0x55: {  	_ =	shalt  }
0x56: {  	_ =	shalt  }
0x57: {  	_ =	shalt  }
0x58: {  	_ =	shalt  }
0x59: {  	_ =	shalt  }
0x5a: {  	_ =	shalt  }
0x5b: {  	_ =	shalt  }
0x5c: {  	_ =	shalt  }
0x5d: {  	_ =	shalt  }
0x5e: {  	_ =	shalt  }
0x5f: {  	_ =	shalt  }
0x60: {  	_ =	shalt  }
0x61: {  	_ =	shalt  }
0x62: {  	_ =	shalt  }
0x63: {  	_ =	shalt  }
0x64: {  	_ =	shalt  }
0x65: {  	_ =	shalt  }
0x66: {  	_ =	shalt  }
0x67: {  	_ =	shalt  }
0x68: {  	_ =	shalt  }
0x69: {  	_ =	shalt  }
0x6a: {  	_ =	shalt  }
0x6b: {  	_ =	shalt  }
0x6c: {  	_ =	shalt  }
0x6d: {  	_ =	shalt  }
0x6e: {  	_ =	shalt  }
0x6f: {  	_ =	shalt  }
0x70: {  	_ =	shalt  }
0x71: {  	_ =	shalt  }
0x72: {  	_ =	shalt  }
0x73: {  	_ =	shalt  }
0x74: {  	_ =	shalt  }
0x75: {  	_ =	shalt  }
0x76: {  	_ =	shalt  }
0x77: {  	_ =	shalt  }
0x78: {  	_ =	shalt  }
0x79: {  	_ =	shalt  }
0x7a: {  	_ =	shalt  }
0x7b: {  	_ =	shalt  }
0x7c: {  	_ =	shalt  }
0x7d: {  	_ =	shalt  }
0x7e: {  	_ =	shalt  }
0x7f: {  	_ =	shalt  }
0x80: {  	_ =	shalt  }
0x81: {  	_ =	shalt  }
0x82: {  	_ =	shalt  }
0x83: {  	_ =	shalt  }
0x84: {  	_ =	shalt  }
0x85: {  	_ =	shalt  }
0x86: {  	_ =	shalt  }
0x87: {  	_ =	shalt  }
.Lfunc_end0:
.L_simem_size_0:
called_computation_lowered:
.L_overlay_start_0:
0x88: {  	s2 =	sld [smem:$0x3FD9]  }
0x89: {  	s3 =	sld [smem:$0x3FFE];
	_ =	sdelay $0x1  }
0x8a: {  	s1 =	srdreg.scid  }
0x8b: {  	s0 =	sand.u32 $0x1, s1  }
0x8c: {  	s17 =	sshll.u32 s0, $0xA;
	s2 =	sadd.s32 s3, s2  }
0x8d: {  	s2 =	sadd.s32 s2, s17  }
0x8e: {  	[smem:$0x3FC5] =	sst s2  }
0x8f: {  	_ = 	snop  }
0x90: {  	s2 =	sld [smem:$0x3FC9]  }
0x91: {  	s18 =	sld [smem:$0x3FC8]  }
0x92: {  	s4 =	sld [smem:$0x3FC7]  }
0x93: {  	s5 =	sld [smem:$0x3FD0];
	(tm) =	ssettm $0x1  }
0x94: {  	s6 =	sld [smem:$0x3FFB];
	_ =	sdelay $0x3  }
0x95: {  	_ =	strace s6  }
0x96: {  	s6 =	sld [smem:$0x3FFC];
	_ =	sdelay $0x3  }
0x97: {  	_ =	strace s6  }
0x98: {  	s6 =	sld [smem:$0x3FFD];
	_ =	sdelay $0x3  }
0x99: {  	_ =	strace s6  }
0x9a: {  	_ =	strace $0x8FFFFFFF  }
0x9b: {  	s19 =	sld [smem:$0x3FDB];
	_ =	sdelay $0x1  }
0x9c: {  	s7 =	simm.s32 $_scs_section_size  }
0x9d: {  	s8 =	simm.s32 $_size__tile_overlayer_lowered;
	s9 =	simm.s32 $_tile_overlayer_lowered  }
0x9e: {  	s22 =	simm.s32 $0x1BFF;
	s21 =	sshll.u32 s9, $0x1;
	s6 =	sadd.s32 s7, s19  }
0x9f: {  	s10 =	simm.s32 $0x0;
	s20 =	sshll.u32 s8, $0x1;
	s8 =	sadd.s32 s21, s6  }
0xa0: {  	[timem:s10], [sflag:s22] =	dma.local [hbm:s8], s20  }
0xa1: {  	_ =	swait.ge [sflag:s22], s20  }
0xa2: {  	s7 =	ssub.s32 $0x0, s20;
	[sflag:s22] =	ssyncset.done $0x0  }
0xa3: {  	[sflag:s22] =	ssyncadd.s32 s7;
	_ =	sdelay $0x1  }
0xa4: {  	s23 =	simm.s32 $0x1B8B  }
0xa5: {  	_ =	swait.ge [sflag:s23], $0x1  }
0xa6: {  	[sflag:s23] =	ssyncset.done $0x0  }
0xa7: {  	s25 =	simm.s32 $0x1B8E;
	s24 =	sld [smem:$0x3FFE];
	[sflag:s23] =	ssyncadd.s32 $0xFFFFFFFF  }
0xa8: {  	s26 =	simm.s32 $execute0_lowered;
	[smem:$0x3FD2] =	sst s25  }
0xa9: {  	s8 =	sshll.u32 s26, $0x1;
	_ =	strace $0x80000046;
	[dreg:$0x1] =	wrdreg $0xFFFFFFFF  }
0xaa: {  	s28 =	simm.s32 $_size_execute0_lowered;
	s6 =	sadd.s32 s6, s8;
	[dreg:$0x0] =	wrdreg $0x0  }
0xab: {  	s8 =	sshll.u32 s28, $0x1;
	[dreg:$0x2] =	wrdreg s6  }
0xac: {  	[dreg:$0x3] =	wrdreg s8  }
0xad: {  	[dreg:$0x4] =	wrdreg $0xC0  }
0xae: {  	_ =	task [dreg:s10], $0x5FFFF  }
0xaf: {  	[dreg:$0x1] =	wrdreg $0xFFFFFFFF  }
0xb0: {  	[dreg:$0x0] =	wrdreg $0x60  }
0xb1: {  	[dreg:$0x2] =	wrdreg s2  }
0xb2: {  	[dreg:$0x3] =	wrdreg s18  }
0xb3: {  	[dreg:$0x4] =	wrdreg s4  }
0xb4: {  	[dreg:$0x5] =	wrdreg s24  }
0xb5: {  	[dreg:$0x6] =	wrdreg s5  }
0xb6: {  	[dreg:$0x7] =	wrdreg $0xC6800  }
0xb7: {  	[dreg:$0x8] =	wrdreg $0x9  }
0xb8: {  	_ =	task.clear_ibuf [dreg:s10], $0x9FFFF;
	_ =	strace $0x90000046  }
0xb9: {  	s29 =	simm.s32 $0x9;
	_ =	strace $0x80000048  }
0xba: {  	_ =	swait.ge [sflag:s29], $0x1  }
0xbb: {  	[sflag:s29] =	ssyncadd.s32 $0xFFFFFFFF  }
0xbc: {  	_ =	strace $0x90000048  }
0xbd: {  	_ =	sfence  }
0xbe: {  	s30 =	sld [smem:$0x0];
	_ =	sdelay $0x2  }
0xbf: {  	s31 =	sshll.u32 s1, $0xD;
	s1 =	sshrl.u32 s1, $0x2  }
0xc0: {  	s3 =	sand.u32 $0x4000, s31;
	s1 =	sadd.s32 s1, s30  }
0xc1: {  	s0 =	sor.u32 s3, s0;
	s1 =	sshll.u32 s1, $0x11  }
0xc2: {  	s0 =	sor.u32 s1, s0  }
0xc3: {  	s0 =	sadd.s32 $0x8F2B, s0  }
0xc4: {  	[sflag:s0] =	ssyncadd.remote.s32 $0x1  }
0xc5: {  	_ =	sfence.sel $0xFFFF  }
0xc6: {  	[dreg:$0x0] =	wrdreg $0xFFFFFFFF;
	(pc) =	sbr.abs _section_cstart, $3  }
0xc7: {  	[dreg:$0x1] =	wrdreg $0xFFFFFFFF  }
0xc8: {  	_ =	task.clear_ibuf [dreg:s10], $0x2FFFF;
	_ =	strace $0x9FFFFFFF  }
0xc9: {  	(tm) =	ssettm $0x7FFFFFFF  }
tec
execute0_lowered:
.L_overlay_start_1:
0x0: {  	(tag) =	ssettag $0x1  }
0x1: {  	s1 =	rddreg [dreg:$0x0]  }
0x2: {  	s0 =	rddreg [dreg:$0x1]  }
0x3: {  	s2 =	rddreg [dreg:$0x2]  }
0x4: {  	s5 =	rddreg [dreg:$0x3]  }
0x5: {  	s6 =	rddreg [dreg:$0x4];
	s13 =	stileid.u32  }
0x6: {  	s3 =	rddreg [dreg:$0x5];
	s9 =	smul.u32 $0x4E200, s13  }
0x7: {  	s7 =	srdreg.scid;
	s4 =	simm.s32 $0x0;
	s28 =	simm.s32 $0x4  }
0x8: {  	s29 =	simm.s32 $0x6;
	s30 =	simm.s32 $0x0;
	s9 =	sshrl.u32 s9, $0x2  }
0x9: {  	s7 =	sand.u32 $0x1, s7;
	s12 =	sadd.s32 $0xC00, s5;
	s5 =	sadd.s32 s9, s3  }
0xa: {  	[smem:$0x7FF] =	sst s4;
	s25 =	smul.u32 $0x13800, s13;
	s19 =	sadd.s32 $0xC80, s5  }
0xb: {  	_ =	strace $0x80000047;
	s20 =	sadd.s32 $0x1900, s5;
	[dreg:$0x9] =	wrdreg s19  }
0xc: {  	s14 =	smul.u32 $0x4E000, s13;
	s21 =	sadd.s32 $0x2580, s5;
	[dreg:$0xa] =	wrdreg s20  }
0xd: {  	p0 =	sne.s32 s13, $0xF;
	s23 =	sadd.s32 $0x3200, s5;
	[dreg:$0xb] =	wrdreg s21  }
0xe: {  	s8 =	sshll.u32 s7, $0x4;
	s24 =	sadd.s32 $0x3E80, s5;
	[dreg:$0xc] =	wrdreg s23  }
0xf: {  	s10 =	ssub.s32 $0x2, s7;
	s26 =	sadd.s32 $0x4B00, s5;
	[dreg:$0xd] =	wrdreg s24  }
0x10: {  	s8 =	sor.u32 s13, s8;
	s31 =	sadd.s32 $0x5780, s5;
	[dreg:$0xe] =	wrdreg s26  }
0x11: {  	s11 =	sshrl.u32 s10, $0x1;
	s9 =	sadd.s32 $0x6400, s5;
	[dreg:$0xf] =	wrdreg s31  }
0x12: {  	s10 =	ssub.s32 s10, s11;
	s11 =	sadd.s32 $0x7080, s5;
	[dreg:$0x10] =	wrdreg s9  }
0x13: {  	s8 =	smul.u32 $0x4E2, s8;
	s15 =	sadd.s32 $0x8980, s5;
	[dreg:$0x11] =	wrdreg s11  }
0x14: {  	s22 =	smul.u32 $0x138800, s7;
	s17 =	sadd.s32 $0x9600, s5;
	[dreg:$0x13] =	wrdreg s15  }
0x15: {  	s16 =	sshrl.u32 s14, $0x2;
	s0 =	sadd.s32 s0, s8;
	[dreg:$0x15] =	wrdreg s17  }
0x16: {  	s13 =	simm.s32 $0x5;
	s18 =	sadd.s32 s2, s8;
	[dreg:$0x7] =	wrdreg s0  }
0x17: {  	s14 =	simm.s32 $0x50;
	s9 =	sadd.s32 $0x7D00, s5;
	[dreg:$0x8] =	wrdreg s18  }
0x18: {  	s7 =	sadd.s32 $0x10680, s5;
	s19 =	smax.u32 s10, $0x1;
	[dreg:$0x12] =	wrdreg s9  }
0x19: {  	s2 =	sadd.s32 s25, s22;
	s20 =	sadd.s32 $0xA280, s5;
	[dreg:$0x18] =	wrdreg s19  }
0x1a: {  	s21 =	sadd.s32 $0xAF00, s5;
	s23 =	sadd.s32 $0xC800, s5;
	[dreg:$0x1b] =	wrdreg s20  }
0x1b: {  	s24 =	sadd.s32 $0xD480, s5;
	s25 =	sadd.s32 $0xE100, s5;
	[dreg:$0x1c] =	wrdreg s21  }
0x1c: {  	s26 =	sadd.s32 $0xED80, s5;
	s31 =	sadd.s32 $0xFA00, s5;
	[dreg:$0x1e] =	wrdreg s23  }
0x1d: {  	s10 =	sadd.s32 $0x12C00, s5;
	s11 =	simm.s32 $0x4F00;
	[dreg:$0x1f] =	wrdreg s24  }
0x1e: {  	s15 =	simm.s32 $0x7700;
	s17 =	simm.s32 $0x9F00;
	[smem:$0x7FB] =	sst s25  }
0x1f: {  	s2 =	sshrl.u32 s2, $0x3;
	s0 =	sshrl.u32 s22, $0x3;
	[smem:$0x7FC] =	sst s26  }
0x20: {  	s18 =	sadd.s32 s6, s8;
	s22 =	sadd.s32 $0xBB80, s5;
	[smem:$0x7FD] =	sst s31  }
0x21: {  	s8 =	sadd.s32 $0x11300, s5;
	s9 =	sadd.s32 $0x11F80, s5;
	s19 =	simm.s32 $0x5F00  }
0x22: {  	s20 =	simm.s32 $0x6700;
	s21 =	simm.s32 $0x6F00;
	s23 =	simm.s32 $0x7F00  }
0x23: {  	s24 =	simm.s32 $0x8700;
	s25 =	simm.s32 $0x8F00;
	s26 =	simm.s32 $0x9700  }
0x24: {  	s2 =	sadd.s32 s12, s2;
	s0 =	sadd.s32 s12, s0;
	[dreg:$0x17] =	wrdreg s18  }
.Ltmp0:
0x25: {  	[dreg:$0x1d] =	wrdreg s22;
	s12 =	simm.s32 $0x3;
	(pc) =	sbr.rel .LBB2_1-.Ltmp0, $4  }
0x26: {  	[dreg:$0x14] =	wrdreg s2;
	s2 =	sadd.s32 s16, s3;
	s0 =	sadd.s32 $0x27000, s0  }
0x27: {  	[dreg:$0x16] =	wrdreg s0;
	s0 =	sadd.s32 $0x138000, s3;
	s2 =	sshrl.u32 s2, $0x3  }
0x28: {  	s18 =	simm.s32 $0x5700;
	[dreg:$0x19] =	wrdreg s2;
	s0 =	sshrl.u32 @!p0 s0, $0x3  }
0x29: {  	v0 =	vimm.f32 $0.0e+00;
	vm0 =	vmmov $0xffff;
	v1 =	vimm.f32 $1.000000000e+00;
	s22 =	simm.s32 $0x2;
	s16 =	simm.s32 $0x1;
	[dreg:$0x1a] =	wrdreg s0  }
.LBB2_8:
0x2a: {  	_ =	swait.ge [sflag:s16], $0x2800  }
0x2b: {  	[sflag:s16] =	ssyncset.done $0x0  }
0x2c: {  	[sflag:s16] =	ssyncadd.s32 $0xFFFFD800  }
0x2d: {  	v2 =	vld [tilespmem:$0x4E40];
	_ =	sdelay $0x7  }
0x2e: {  	[tilespmem:v2+s17+$0x0] =	vst.idx.add.f32.msk $0xffff, v1  }
0x2f: {  	[spmem:s3] =	stream.indirect_vreg.scatter.add.f32 [tilespmem:s11], [sflag:$0x3], $0x80, v2, vm0, $0xb8;
	[tilespmem:$0x1FF00] =	vst v63  }
0x30: {  	v2 =	vld [tilespmem:$0x4E50];
	_ =	sdelay $0x7  }
0x31: {  	[tilespmem:v2+s17+$0x0] =	vst.idx.add.f32.msk $0xffff, v1  }
0x32: {  	[spmem:s3] =	stream.indirect_vreg.scatter.add.f32 [tilespmem:s18], [sflag:$0x3], $0x80, v2, vm0, $0xb8;
	[tilespmem:$0x1FF00] =	vst v63  }
0x33: {  	v2 =	vld [tilespmem:$0x4E60];
	_ =	sdelay $0x7  }
0x34: {  	[tilespmem:v2+s17+$0x0] =	vst.idx.add.f32.msk $0xffff, v1  }
0x35: {  	[spmem:s3] =	stream.indirect_vreg.scatter.add.f32 [tilespmem:s19], [sflag:$0x3], $0x80, v2, vm0, $0xb8;
	[tilespmem:$0x1FF00] =	vst v63  }
0x36: {  	v2 =	vld [tilespmem:$0x4E70];
	_ =	sdelay $0x7  }
0x37: {  	[tilespmem:v2+s17+$0x0] =	vst.idx.add.f32.msk $0xffff, v1  }
0x38: {  	[spmem:s3] =	stream.indirect_vreg.scatter.add.f32 [tilespmem:s20], [sflag:$0x3], $0x80, v2, vm0, $0xb8;
	[tilespmem:$0x1FF00] =	vst v63  }
0x39: {  	v2 =	vld [tilespmem:$0x4E80];
	_ =	sdelay $0x7  }
0x3a: {  	[tilespmem:v2+s17+$0x0] =	vst.idx.add.f32.msk $0xffff, v1  }
0x3b: {  	[spmem:s3] =	stream.indirect_vreg.scatter.add.f32 [tilespmem:s21], [sflag:$0x3], $0x80, v2, vm0, $0xb8;
	[tilespmem:$0x1FF00] =	vst v63  }
0x3c: {  	_ =	swait.ge [sflag:s12], $0x800  }
0x3d: {  	[sflag:s12] =	ssyncset.done $0x0  }
0x3e: {  	[sflag:s12] =	ssyncadd.s32 $0xFFFFF800  }
0x3f: {  	_ =	swait.ge [sflag:s12], $0x800  }
0x40: {  	[sflag:s12] =	ssyncset.done $0x0  }
0x41: {  	[sflag:s12] =	ssyncadd.s32 $0xFFFFF800  }
0x42: {  	_ =	swait.ge [sflag:s12], $0x800  }
0x43: {  	[sflag:s12] =	ssyncset.done $0x0  }
0x44: {  	[sflag:s12] =	ssyncadd.s32 $0xFFFFF800  }
0x45: {  	_ =	swait.ge [sflag:s12], $0x800  }
0x46: {  	[sflag:s12] =	ssyncset.done $0x0  }
0x47: {  	[sflag:s12] =	ssyncadd.s32 $0xFFFFF800  }
0x48: {  	_ =	swait.ge [sflag:s12], $0x800  }
0x49: {  	[sflag:s12] =	ssyncset.done $0x0  }
0x4a: {  	[sflag:s12] =	ssyncadd.s32 $0xFFFFF800  }
0x4b: {  	s0 =	stileid.u32;
	[bflag:$0x0] =	sbarrier.arrive $0xFFFF  }
0x4c: {  	s0 =	sshll.u32 s0, $0x6;
	s2 =	rddreg [dreg:$0x14]  }
0x4d: {  	s0 =	sor.u32 $0x1C06, s0;
	s6 =	rddreg [dreg:$0x19]  }
0x4e: {  	[hbm:s2], [sflag:s0] =	dma.local [spmem:s6], $0x2700  }
0x4f: {  	_ =	swait.ge [sflag:s29], $0x2700  }
0x50: {  	[sflag:s29] =	ssyncset.done $0x0;
	s2 =	rddreg [dreg:$0x16]  }
0x51: {  	s6 =	rddreg [dreg:$0x1a];
	[sflag:s29] =	ssyncadd.s32 $0xFFFFD900  }
0x52: {  	[hbm:s2], [sflag:s0] =	dma.local @!p0 [spmem:s6], $0x100  }
0x53: {  	s0 =	simm.s32 @!p0 $0x6  }
0x54: {  	_ =	swait.ge @!p0 [sflag:s0], $0x100  }
0x55: {  	[sflag:s0] =	ssyncset.done @!p0 $0x0  }
0x56: {  	s6 =	rddreg [dreg:$0x17];
	[sflag:s0] =	ssyncadd.s32 @!p0 $0xFFFFFF00  }
0x57: {  	[hbm4b:s6+s4] =	stream.linear.scatter [tilespmem:s17], [sflag:$0x6], $0x2710, $0x38;
	[tilespmem:$0x1FF00] =	vst v63  }
0x58: {  	_ =	swait.ge [sflag:s29], $0x2710  }
0x59: {  	s30 =	sadd.s32 $0x1, s30;
	s31 =	rddreg [dreg:$0x18]  }
0x5a: {  	p1 =	sne.s32 s30, s31  }
.Ltmp1:
0x5b: {  	_ = 	snop;
	(pc) =	sbr.rel @!p1 .LBB2_9-.Ltmp1, $3  }
0x5c: {  	_ =	sdelay $0x1  }
0x5d: {  	[sflag:s29] =	ssyncset.done $0x0  }
0x5e: {  	[sflag:s29] =	ssyncadd.s32 $0xFFFFD8F0  }
.LBB2_1:
0x5f: {  	s0 =	rddreg [dreg:$0x7]  }
0x60: {  	[tilespmem:s4], [sflag:$0x5] =	stream.linear.gather [hbm4b:s0+s4], $0x2710, $0x38;
	[tilespmem:$0x1FF00] =	vst v63  }
0x61: {  	s31 =	rddreg [dreg:$0x8];
	s2 =	simm.s32 $0x2780  }
0x62: {  	[tilespmem:s2], [sflag:$0x5] =	stream.linear.gather [hbm4b:s31+s4], $0x2710, $0x38;
	[tilespmem:$0x1FF00] =	vst v63  }
0x63: {  	s0 =	simm.s32 $0x0;
	s2 =	simm.s32 $0x200  }
.LBB2_2:
0x64: {  	p1 =	sne.s32 s2, $0x9E00;
	[tilespmem:s0+$0x4F70] =	vst v0  }
0x65: {  	[tilespmem:s0+$0x4F00] =	vst v0  }
0x66: {  	[tilespmem:s0+$0x4F10] =	vst v0  }
.Ltmp2:
0x67: {  	[tilespmem:s0+$0x4F20] =	vst v0;
	(pc) =	sbr.rel @p1 .LBB2_2-.Ltmp2, $4  }
0x68: {  	[tilespmem:s0+$0x4F30] =	vst v0  }
0x69: {  	[tilespmem:s0+$0x4F40] =	vst v0  }
0x6a: {  	[tilespmem:s0+$0x4F50] =	vst v0  }
0x6b: {  	[tilespmem:s0+$0x4F60] =	vst v0;
	s0 =	sshra.s32 s2, $0x2;
	s2 =	sadd.s32 $0x200, s2  }
0x6c: {  	[tilespmem:s0+$0x4F70] =	vst v0  }
0x6d: {  	[tilespmem:s0+$0x4F00] =	vst v0  }
0x6e: {  	[tilespmem:s0+$0x4F10] =	vst v0  }
0x6f: {  	[tilespmem:s0+$0x4F20] =	vst v0  }
0x70: {  	[tilespmem:s0+$0x4F30] =	vst v0  }
0x71: {  	[tilespmem:s0+$0x4F40] =	vst v0  }
0x72: {  	[tilespmem:s0+$0x4F50] =	vst v0  }
0x73: {  	[tilespmem:s0+$0x4F60] =	vst v0;
	s6 =	rddreg [dreg:$0x9]  }
0x74: {  	[spmem:s5] =	stream.linear.scatter [tilespmem:s11], [sflag:$0x3], $0xC80, $0x38;
	[tilespmem:$0x1FF00] =	vst v63  }
0x75: {  	s31 =	rddreg [dreg:$0xa]  }
0x76: {  	[spmem:s6] =	stream.linear.scatter [tilespmem:s11], [sflag:$0x3], $0xC80, $0x38;
	[tilespmem:$0x1FF00] =	vst v63  }
0x77: {  	s2 =	rddreg [dreg:$0xb]  }
0x78: {  	[spmem:s31] =	stream.linear.scatter [tilespmem:s11], [sflag:$0x3], $0xC80, $0x38;
	[tilespmem:$0x1FF00] =	vst v63  }
0x79: {  	s6 =	rddreg [dreg:$0xc]  }
0x7a: {  	[spmem:s2] =	stream.linear.scatter [tilespmem:s11], [sflag:$0x3], $0xC80, $0x38;
	[tilespmem:$0x1FF00] =	vst v63  }
0x7b: {  	s31 =	rddreg [dreg:$0xd]  }
0x7c: {  	[spmem:s6] =	stream.linear.scatter [tilespmem:s11], [sflag:$0x3], $0xC80, $0x38;
	[tilespmem:$0x1FF00] =	vst v63  }
0x7d: {  	s2 =	rddreg [dreg:$0xe]  }
0x7e: {  	[spmem:s31] =	stream.linear.scatter [tilespmem:s11], [sflag:$0x3], $0xC80, $0x38;
	[tilespmem:$0x1FF00] =	vst v63  }
0x7f: {  	s6 =	rddreg [dreg:$0xf]  }
0x80: {  	[spmem:s2] =	stream.linear.scatter [tilespmem:s11], [sflag:$0x3], $0xC80, $0x38;
	[tilespmem:$0x1FF00] =	vst v63  }
0x81: {  	s31 =	rddreg [dreg:$0x10]  }
0x82: {  	[spmem:s6] =	stream.linear.scatter [tilespmem:s11], [sflag:$0x3], $0xC80, $0x38;
	[tilespmem:$0x1FF00] =	vst v63  }
0x83: {  	s2 =	rddreg [dreg:$0x11]  }
0x84: {  	[spmem:s31] =	stream.linear.scatter [tilespmem:s11], [sflag:$0x3], $0xC80, $0x38;
	[tilespmem:$0x1FF00] =	vst v63  }
0x85: {  	s6 =	rddreg [dreg:$0x12]  }
0x86: {  	[spmem:s2] =	stream.linear.scatter [tilespmem:s11], [sflag:$0x3], $0xC80, $0x38;
	[tilespmem:$0x1FF00] =	vst v63  }
0x87: {  	s31 =	rddreg [dreg:$0x13]  }
0x88: {  	[spmem:s6] =	stream.linear.scatter [tilespmem:s11], [sflag:$0x3], $0xC80, $0x38;
	[tilespmem:$0x1FF00] =	vst v63  }
0x89: {  	s2 =	rddreg [dreg:$0x15]  }
0x8a: {  	[spmem:s31] =	stream.linear.scatter [tilespmem:s11], [sflag:$0x3], $0xC80, $0x38;
	[tilespmem:$0x1FF00] =	vst v63  }
0x8b: {  	s6 =	rddreg [dreg:$0x1b]  }
0x8c: {  	[spmem:s2] =	stream.linear.scatter [tilespmem:s11], [sflag:$0x3], $0xC80, $0x38;
	[tilespmem:$0x1FF00] =	vst v63  }
0x8d: {  	s31 =	rddreg [dreg:$0x1c]  }
0x8e: {  	[spmem:s6] =	stream.linear.scatter [tilespmem:s11], [sflag:$0x3], $0xC80, $0x38;
	[tilespmem:$0x1FF00] =	vst v63  }
0x8f: {  	s2 =	rddreg [dreg:$0x1d]  }
0x90: {  	[spmem:s31] =	stream.linear.scatter [tilespmem:s11], [sflag:$0x3], $0xC80, $0x38;
	[tilespmem:$0x1FF00] =	vst v63  }
0x91: {  	s6 =	rddreg [dreg:$0x1e]  }
0x92: {  	[spmem:s2] =	stream.linear.scatter [tilespmem:s11], [sflag:$0x3], $0xC80, $0x38;
	[tilespmem:$0x1FF00] =	vst v63  }
0x93: {  	s31 =	rddreg [dreg:$0x1f]  }
0x94: {  	[spmem:s6] =	stream.linear.scatter [tilespmem:s11], [sflag:$0x3], $0xC80, $0x38;
	[tilespmem:$0x1FF00] =	vst v63  }
0x95: {  	s2 =	sld [smem:$0x7FB]  }
0x96: {  	[spmem:s31] =	stream.linear.scatter [tilespmem:s11], [sflag:$0x3], $0xC80, $0x38;
	[tilespmem:$0x1FF00] =	vst v63  }
0x97: {  	s6 =	sld [smem:$0x7FC]  }
0x98: {  	[spmem:s2] =	stream.linear.scatter [tilespmem:s11], [sflag:$0x3], $0xC80, $0x38;
	[tilespmem:$0x1FF00] =	vst v63  }
0x99: {  	s31 =	sld [smem:$0x7FD]  }
0x9a: {  	[spmem:s6] =	stream.linear.scatter [tilespmem:s11], [sflag:$0x3], $0xC80, $0x38;
	[tilespmem:$0x1FF00] =	vst v63  }
0x9b: {  	_ = 	snop  }
0x9c: {  	[spmem:s31] =	stream.linear.scatter [tilespmem:s11], [sflag:$0x3], $0xC80, $0x38;
	[tilespmem:$0x1FF00] =	vst v63  }
0x9d: {  	_ = 	snop  }
0x9e: {  	[spmem:s7] =	stream.linear.scatter [tilespmem:s11], [sflag:$0x3], $0xC80, $0x38;
	[tilespmem:$0x1FF00] =	vst v63  }
0x9f: {  	_ = 	snop  }
0xa0: {  	[spmem:s8] =	stream.linear.scatter [tilespmem:s11], [sflag:$0x3], $0xC80, $0x38;
	[tilespmem:$0x1FF00] =	vst v63  }
0xa1: {  	_ = 	snop  }
0xa2: {  	[spmem:s9] =	stream.linear.scatter [tilespmem:s11], [sflag:$0x3], $0xC80, $0x38;
	[tilespmem:$0x1FF00] =	vst v63  }
0xa3: {  	s0 =	simm.s32 $0x40;
	s2 =	simm.s32 $0x0  }
0xa4: {  	[spmem:s10] =	stream.linear.scatter [tilespmem:s11], [sflag:$0x3], $0xC80, $0x38;
	[tilespmem:$0x1FF00] =	vst v63  }
.LBB2_4:
0xa5: {  	p1 =	sne.s32 s0, $0x9C00;
	[tilespmem:s2+$0x9F00] =	vst v0;
	s2 =	smov.u32 s0;
	s0 =	sadd.s32 $0x40, s0  }
.Ltmp3:
0xa6: {  	(pc) =	sbr.rel @p1 .LBB2_4-.Ltmp3, $2  }
0xa7: {  	_ =	sdelay $0x2  }
0xa8: {  	s2 =	sshra.s32 s2, $0x2  }
0xa9: {  	[tilespmem:s2+$0x9F00] =	vst v0  }
0xaa: {  	_ =	swait.ge [sflag:s12], $0xC80  }
0xab: {  	[sflag:s12] =	ssyncset.done $0x0  }
0xac: {  	[sflag:s12] =	ssyncadd.s32 $0xFFFFF380  }
0xad: {  	_ =	swait.ge [sflag:s12], $0xC80  }
0xae: {  	[sflag:s12] =	ssyncset.done $0x0  }
0xaf: {  	[sflag:s12] =	ssyncadd.s32 $0xFFFFF380  }
0xb0: {  	_ =	swait.ge [sflag:s12], $0xC80  }
0xb1: {  	[sflag:s12] =	ssyncset.done $0x0  }
0xb2: {  	[sflag:s12] =	ssyncadd.s32 $0xFFFFF380  }
0xb3: {  	_ =	swait.ge [sflag:s12], $0xC80  }
0xb4: {  	[sflag:s12] =	ssyncset.done $0x0  }
0xb5: {  	[sflag:s12] =	ssyncadd.s32 $0xFFFFF380  }
0xb6: {  	_ =	swait.ge [sflag:s12], $0xC80  }
0xb7: {  	[sflag:s12] =	ssyncset.done $0x0  }
0xb8: {  	[sflag:s12] =	ssyncadd.s32 $0xFFFFF380  }
0xb9: {  	_ =	swait.ge [sflag:s12], $0xC80  }
0xba: {  	[sflag:s12] =	ssyncset.done $0x0  }
0xbb: {  	[sflag:s12] =	ssyncadd.s32 $0xFFFFF380  }
0xbc: {  	_ =	swait.ge [sflag:s12], $0xC80  }
0xbd: {  	[sflag:s12] =	ssyncset.done $0x0  }
0xbe: {  	[sflag:s12] =	ssyncadd.s32 $0xFFFFF380  }
0xbf: {  	_ =	swait.ge [sflag:s12], $0xC80  }
0xc0: {  	[sflag:s12] =	ssyncset.done $0x0  }
0xc1: {  	[sflag:s12] =	ssyncadd.s32 $0xFFFFF380  }
0xc2: {  	_ =	swait.ge [sflag:s12], $0xC80  }
0xc3: {  	[sflag:s12] =	ssyncset.done $0x0  }
0xc4: {  	[sflag:s12] =	ssyncadd.s32 $0xFFFFF380  }
0xc5: {  	_ =	swait.ge [sflag:s12], $0xC80  }
0xc6: {  	[sflag:s12] =	ssyncset.done $0x0  }
0xc7: {  	[sflag:s12] =	ssyncadd.s32 $0xFFFFF380  }
0xc8: {  	_ =	swait.ge [sflag:s12], $0xC80  }
0xc9: {  	[sflag:s12] =	ssyncset.done $0x0  }
0xca: {  	[sflag:s12] =	ssyncadd.s32 $0xFFFFF380  }
0xcb: {  	_ =	swait.ge [sflag:s12], $0xC80  }
0xcc: {  	[sflag:s12] =	ssyncset.done $0x0  }
0xcd: {  	[sflag:s12] =	ssyncadd.s32 $0xFFFFF380  }
0xce: {  	_ =	swait.ge [sflag:s12], $0xC80  }
0xcf: {  	[sflag:s12] =	ssyncset.done $0x0  }
0xd0: {  	[sflag:s12] =	ssyncadd.s32 $0xFFFFF380  }
0xd1: {  	_ =	swait.ge [sflag:s12], $0xC80  }
0xd2: {  	[sflag:s12] =	ssyncset.done $0x0  }
0xd3: {  	[sflag:s12] =	ssyncadd.s32 $0xFFFFF380  }
0xd4: {  	_ =	swait.ge [sflag:s12], $0xC80  }
0xd5: {  	[sflag:s12] =	ssyncset.done $0x0  }
0xd6: {  	[sflag:s12] =	ssyncadd.s32 $0xFFFFF380  }
0xd7: {  	_ =	swait.ge [sflag:s12], $0xC80  }
0xd8: {  	[sflag:s12] =	ssyncset.done $0x0  }
0xd9: {  	[sflag:s12] =	ssyncadd.s32 $0xFFFFF380  }
0xda: {  	_ =	swait.ge [sflag:s12], $0xC80  }
0xdb: {  	[sflag:s12] =	ssyncset.done $0x0  }
0xdc: {  	[sflag:s12] =	ssyncadd.s32 $0xFFFFF380  }
0xdd: {  	_ =	swait.ge [sflag:s12], $0xC80  }
0xde: {  	[sflag:s12] =	ssyncset.done $0x0  }
0xdf: {  	[sflag:s12] =	ssyncadd.s32 $0xFFFFF380  }
0xe0: {  	_ =	swait.ge [sflag:s12], $0xC80  }
0xe1: {  	[sflag:s12] =	ssyncset.done $0x0  }
0xe2: {  	[sflag:s12] =	ssyncadd.s32 $0xFFFFF380  }
0xe3: {  	_ =	swait.ge [sflag:s12], $0xC80  }
0xe4: {  	[sflag:s12] =	ssyncset.done $0x0  }
0xe5: {  	[sflag:s12] =	ssyncadd.s32 $0xFFFFF380  }
0xe6: {  	_ =	swait.ge [sflag:s12], $0xC80  }
0xe7: {  	[sflag:s12] =	ssyncset.done $0x0  }
0xe8: {  	[sflag:s12] =	ssyncadd.s32 $0xFFFFF380  }
0xe9: {  	_ =	swait.ge [sflag:s12], $0xC80  }
0xea: {  	[sflag:s12] =	ssyncset.done $0x0  }
0xeb: {  	[sflag:s12] =	ssyncadd.s32 $0xFFFFF380  }
0xec: {  	_ =	swait.ge [sflag:s12], $0xC80  }
0xed: {  	[sflag:s12] =	ssyncset.done $0x0  }
0xee: {  	[sflag:s12] =	ssyncadd.s32 $0xFFFFF380  }
0xef: {  	_ =	swait.ge [sflag:s12], $0xC80  }
0xf0: {  	[sflag:s12] =	ssyncset.done $0x0  }
0xf1: {  	[sflag:s12] =	ssyncadd.s32 $0xFFFFF380  }
0xf2: {  	_ =	swait.ge [sflag:s12], $0xC80  }
0xf3: {  	[sflag:s12] =	ssyncset.done $0x0  }
0xf4: {  	[sflag:s12] =	ssyncadd.s32 $0xFFFFF380  }
0xf5: {  	_ =	swait.ge [sflag:s13], $0x2710  }
0xf6: {  	[sflag:s13] =	ssyncset.done $0x0  }
0xf7: {  	[sflag:s13] =	ssyncadd.s32 $0xFFFFD8F0  }
0xf8: {  	_ =	swait.ge [sflag:s13], $0x2710  }
0xf9: {  	[sflag:s13] =	ssyncset.done $0x0  }
0xfa: {  	[sflag:s13] =	ssyncadd.s32 $0xFFFFD8F0  }
0xfb: {  	s31 =	simm.s32 $0x0;
	[bflag:$0x0] =	sbarrier.arrive $0xFFFF  }
0xfc: {  	[tilespmem:s11], [sflag:$0x1] =	stream.indirect.gather [hbm4b:s1+s14], $0x80, s31, s14, $0xb8;
	[tilespmem:$0x1FF00] =	vst v63  }
0xfd: {  	s0 =	simm.s32 $0xF0;
	s2 =	simm.s32 $0x27D0  }
0xfe: {  	[tilespmem:s15], [sflag:$0x2] =	stream.indirect.gather [hbm4b:s1+s14], $0x80, s14, s14, $0xb8;
	[tilespmem:$0x1FF00] =	vst v63  }
.LBB2_6:
0xff: {  	_ =	swait.ge [sflag:s16], $0x2800  }
0x100: {  	[sflag:s16] =	ssyncset.done $0x0  }
0x101: {  	[sflag:s16] =	ssyncadd.s32 $0xFFFFD800  }
0x102: {  	v2 =	vld [tilespmem:s2+$0xFFFFFFB0];
	_ =	sdelay $0x7  }
0x103: {  	[tilespmem:v2+s17+$0x0] =	vst.idx.add.f32.msk $0xffff, v1  }
0x104: {  	[spmem:s3] =	stream.indirect_vreg.scatter.add.f32 [tilespmem:s11], [sflag:$0x3], $0x80, v2, vm0, $0xb8;
	[tilespmem:$0x1FF00] =	vst v63  }
0x105: {  	v2 =	vld [tilespmem:s2+$0xFFFFFFC0];
	_ =	sdelay $0x7  }
0x106: {  	[tilespmem:v2+s17+$0x0] =	vst.idx.add.f32.msk $0xffff, v1  }
0x107: {  	[spmem:s3] =	stream.indirect_vreg.scatter.add.f32 [tilespmem:s18], [sflag:$0x3], $0x80, v2, vm0, $0xb8;
	[tilespmem:$0x1FF00] =	vst v63  }
0x108: {  	v2 =	vld [tilespmem:s2+$0xFFFFFFD0];
	_ =	sdelay $0x7  }
0x109: {  	[tilespmem:v2+s17+$0x0] =	vst.idx.add.f32.msk $0xffff, v1  }
0x10a: {  	[spmem:s3] =	stream.indirect_vreg.scatter.add.f32 [tilespmem:s19], [sflag:$0x3], $0x80, v2, vm0, $0xb8;
	[tilespmem:$0x1FF00] =	vst v63  }
0x10b: {  	v2 =	vld [tilespmem:s2+$0xFFFFFFE0];
	_ =	sdelay $0x7  }
0x10c: {  	[tilespmem:v2+s17+$0x0] =	vst.idx.add.f32.msk $0xffff, v1  }
0x10d: {  	[spmem:s3] =	stream.indirect_vreg.scatter.add.f32 [tilespmem:s20], [sflag:$0x3], $0x80, v2, vm0, $0xb8;
	[tilespmem:$0x1FF00] =	vst v63  }
0x10e: {  	v2 =	vld [tilespmem:s2+$0xFFFFFFF0];
	_ =	sdelay $0x7  }
0x10f: {  	[tilespmem:v2+s17+$0x0] =	vst.idx.add.f32.msk $0xffff, v1  }
0x110: {  	[spmem:s3] =	stream.indirect_vreg.scatter.add.f32 [tilespmem:s21], [sflag:$0x3], $0x80, v2, vm0, $0xb8;
	[tilespmem:$0x1FF00] =	vst v63  }
0x111: {  	_ =	swait.ge [sflag:s12], $0x800  }
0x112: {  	[sflag:s12] =	ssyncset.done $0x0  }
0x113: {  	[sflag:s12] =	ssyncadd.s32 $0xFFFFF800  }
0x114: {  	_ =	swait.ge [sflag:s12], $0x800  }
0x115: {  	[sflag:s12] =	ssyncset.done $0x0  }
0x116: {  	[sflag:s12] =	ssyncadd.s32 $0xFFFFF800  }
0x117: {  	_ =	swait.ge [sflag:s12], $0x800  }
0x118: {  	[sflag:s12] =	ssyncset.done $0x0  }
0x119: {  	[sflag:s12] =	ssyncadd.s32 $0xFFFFF800  }
0x11a: {  	_ =	swait.ge [sflag:s12], $0x800  }
0x11b: {  	[sflag:s12] =	ssyncset.done $0x0  }
0x11c: {  	[sflag:s12] =	ssyncadd.s32 $0xFFFFF800  }
0x11d: {  	_ =	swait.ge [sflag:s12], $0x800  }
0x11e: {  	[sflag:s12] =	ssyncset.done $0x0  }
0x11f: {  	s6 =	sadd.s32 $0xFFFFFFB0, s0;
	[sflag:s12] =	ssyncadd.s32 $0xFFFFF800  }
0x120: {  	[tilespmem:s11], [sflag:$0x1] =	stream.indirect.gather [hbm4b:s1+s14], $0x80, s6, s14, $0xb8;
	[tilespmem:$0x1FF00] =	vst v63  }
0x121: {  	_ =	swait.ge [sflag:s22], $0x2800  }
0x122: {  	[sflag:s22] =	ssyncset.done $0x0  }
0x123: {  	[sflag:s22] =	ssyncadd.s32 $0xFFFFD800  }
0x124: {  	v2 =	vld [tilespmem:s2+$0x0];
	_ =	sdelay $0x7  }
0x125: {  	[tilespmem:v2+s17+$0x0] =	vst.idx.add.f32.msk $0xffff, v1  }
0x126: {  	[spmem:s3] =	stream.indirect_vreg.scatter.add.f32 [tilespmem:s15], [sflag:$0x4], $0x80, v2, vm0, $0xb8;
	[tilespmem:$0x1FF00] =	vst v63  }
0x127: {  	v2 =	vld [tilespmem:s2+$0x10];
	_ =	sdelay $0x7  }
0x128: {  	[tilespmem:v2+s17+$0x0] =	vst.idx.add.f32.msk $0xffff, v1  }
0x129: {  	[spmem:s3] =	stream.indirect_vreg.scatter.add.f32 [tilespmem:s23], [sflag:$0x4], $0x80, v2, vm0, $0xb8;
	[tilespmem:$0x1FF00] =	vst v63  }
0x12a: {  	v2 =	vld [tilespmem:s2+$0x20];
	_ =	sdelay $0x7  }
0x12b: {  	s6 =	sand.u32 $0x3FE0, s31;
	[tilespmem:v2+s17+$0x0] =	vst.idx.add.f32.msk $0xffff, v1  }
0x12c: {  	[spmem:s3] =	stream.indirect_vreg.scatter.add.f32 [tilespmem:s24], [sflag:$0x4], $0x80, v2, vm0, $0xb8;
	[tilespmem:$0x1FF00] =	vst v63  }
0x12d: {  	v2 =	vld [tilespmem:s6+$0x2800];
	_ =	sdelay $0x7  }
0x12e: {  	[tilespmem:v2+s17+$0x0] =	vst.idx.add.f32.msk $0xffff, v1  }
0x12f: {  	[spmem:s3] =	stream.indirect_vreg.scatter.add.f32 [tilespmem:s25], [sflag:$0x4], $0x80, v2, vm0, $0xb8;
	[tilespmem:$0x1FF00] =	vst v63  }
0x130: {  	v2 =	vld [tilespmem:s2+$0x40];
	_ =	sdelay $0x7  }
0x131: {  	[tilespmem:v2+s17+$0x0] =	vst.idx.add.f32.msk $0xffff, v1  }
0x132: {  	[spmem:s3] =	stream.indirect_vreg.scatter.add.f32 [tilespmem:s26], [sflag:$0x4], $0x80, v2, vm0, $0xb8;
	[tilespmem:$0x1FF00] =	vst v63  }
0x133: {  	_ =	swait.ge [sflag:s28], $0x800  }
0x134: {  	[sflag:s28] =	ssyncset.done $0x0  }
0x135: {  	[sflag:s28] =	ssyncadd.s32 $0xFFFFF800  }
0x136: {  	_ =	swait.ge [sflag:s28], $0x800  }
0x137: {  	[sflag:s28] =	ssyncset.done $0x0  }
0x138: {  	[sflag:s28] =	ssyncadd.s32 $0xFFFFF800  }
0x139: {  	_ =	swait.ge [sflag:s28], $0x800  }
0x13a: {  	[sflag:s28] =	ssyncset.done $0x0  }
0x13b: {  	[sflag:s28] =	ssyncadd.s32 $0xFFFFF800  }
0x13c: {  	p1 =	seq.s32 s31, $0x2620;
	_ =	swait.ge [sflag:s28], $0x800  }
.Ltmp4:
0x13d: {  	[sflag:s28] =	ssyncset.done $0x0;
	(pc) =	sbr.rel @p1 .LBB2_8-.Ltmp4, $4  }
0x13e: {  	[sflag:s28] =	ssyncadd.s32 $0xFFFFF800  }
0x13f: {  	_ =	swait.ge [sflag:s28], $0x800  }
0x140: {  	[sflag:s28] =	ssyncset.done $0x0  }
0x141: {  	[sflag:s28] =	ssyncadd.s32 $0xFFFFF800  }
.Ltmp5:
0x142: {  	(pc) =	sbr.rel .LBB2_6-.Ltmp5, $3  }
0x143: {  	_ =	sdelay $0x1  }
0x144: {  	[tilespmem:s15], [sflag:$0x2] =	stream.indirect.gather [hbm4b:s1+s14], $0x80, s0, s14, $0xb8;
	[tilespmem:$0x1FF00] =	vst v63  }
0x145: {  	s31 =	sadd.s32 $0xA0, s31;
	s0 =	sadd.s32 $0xA0, s0;
	s2 =	sadd.s32 $0xA0, s2  }
.LBB2_9:
0x146: {  	_ =	sfence.sel $0x180000  }
0x147: {  	[bflag:$0x0] =	sbarrier.arrive $0xFFFF  }
0x148: {  	_ =	strace $0x90000047  }
0x149: {  	s0 =	stileid.u32;
	[bflag:$0x2] =	sbarrier.arrive $0xFFFF  }
0x14a: {  	p0 =	sne.s32 s0, $0x0;
	s0 =	rddreg [dreg:$0x6]  }
0x14b: {  	s0 =	sadd.s32 @!p0 $0x100000, s0  }
0x14c: {  	[sflag:s0] =	ssyncadd.tile.s32 @!p0 $0x1;
	_ =	shalt  }
.Lfunc_end2:
_tile_overlayer_lowered:
.L_overlay_start_2:
0x14d: {  	(tag) =	ssettag $0x2  }
0x14e: {  	s0 =	rddreg [dreg:$0x0];
	s2 =	stileid.u32  }
0x14f: {  	s1 =	rddreg [dreg:$0x1];
	p0 =	sne.s32 s2, $0x0  }
0x150: {  	s3 =	rddreg [dreg:$0x2];
	[bflag:$0x3] =	sbarrier.arrive $0xFFFF;
	s2 =	simm.s32 @!p0 $0x1C06  }
0x151: {  	[timem:s3], [sflag:s2] =	dma.local @!p0 [hbm:s0], s1  }
0x152: {  	s0 =	simm.s32 @!p0 $0x6  }
0x153: {  	_ =	swait.ge @!p0 [sflag:s0], s1  }
0x154: {  	s1 =	ssub.s32 @!p0 $0x0, s1;
	[sflag:s0] =	ssyncset.done @!p0 $0x0  }
0x155: {  	[sflag:s0] =	ssyncadd.s32 @!p0 s1  }
0x156: {  	[bflag:$0x3] =	sbarrier.arrive $0xFFFF  }
0x157: {  	_ =	shalt  }

</sc_bundles>
